<compile_context>
chip_gen: v7x
topology: tpu7x:2x2x1
jax: 0.10.2.dev20260603
libtpu: 0.0.44.dev20260713+nightly
codegen_flags: <defaults>
</compile_context>

<pallas_src>
import functools

import jax
import jax.numpy as jnp
from jax import lax
from jax.experimental import pallas as pl
from jax.experimental.pallas import tpu as pltpu
from jax.experimental.pallas import tpu_sc as plsc

NC = 2
NS = 16
L = 16
UNROLL = 8


def _sc_store(mem_hbm, tid_hbm, idx_hbm, val_hbm, ntid_hbm,
              out_hbm, otid_hbm,
              idx_v, ntid_v, win_v, rows_v, jlist_v, keep_v, tid_v, mbuf_v,
              isem, i2sem, nsem, gsem, g2sem, ssem):
  M, D = mem_hbm.shape
  B = idx_hbm.shape[0]
  NW = NC * NS
  R = L * ((M + L * NW - 1) // (L * NW))
  NV = R // L
  B2 = B // 2

  w = lax.axis_index("c") * NS + lax.axis_index("s")
  base = jnp.minimum(w * R, M - R)
  lane = lax.iota(jnp.int32, L)

  cp_idx = pltpu.async_copy(idx_hbm.at[pl.ds(0, B2)],
                            idx_v.at[pl.ds(0, B2)], isem)
  cp_idx2 = pltpu.async_copy(idx_hbm.at[pl.ds(B2, B2)],
                             idx_v.at[pl.ds(B2, B2)], i2sem)
  cp_nt = pltpu.async_copy(ntid_hbm, ntid_v, nsem)
  cp_tid = pltpu.async_copy(tid_hbm.at[pl.ds(base, R)], tid_v, nsem)

  for i in range(NV):
    win_v[pl.ds(i * L, L)] = jnp.full((L,), -1, jnp.int32)

  def phase_a(cc, carry):
    ivs, lasts = [], []
    for u in range(UNROLL):
      iv = idx_v[pl.ds((cc * UNROLL + u) * L, L)]
      ivs.append(iv)
    for u in range(UNROLL):
      _, last = plsc.scan_count(ivs[u])
      lasts.append(last)
    for u in range(UNROLL):
      iv = ivs[u]
      keep = lasts[u] & (iv >= base) & (iv < base + R)
      loc = jnp.where(keep, iv - base, 0)
      plsc.store_scatter(win_v, [loc], (cc * UNROLL + u) * L + lane,
                         mask=keep)
    return carry

  HALF_CC = B2 // (L * UNROLL)
  cp_idx.wait()
  lax.fori_loop(0, HALF_CC, phase_a, 0)
  cp_idx2.wait()
  lax.fori_loop(HALF_CC, 2 * HALF_CC, phase_a, 0)

  cp_nt.wait()
  cp_tid.wait()
  for i in range(NV):
    wv = win_v[pl.ds(i * L, L)]
    have = wv >= 0
    nv = plsc.load_gather(ntid_v, [jnp.where(have, wv, 0)], mask=have)
    tid_v[pl.ds(i * L, L)] = jnp.where(have, nv, tid_v[pl.ds(i * L, L)])
  cp_otid = pltpu.async_copy(tid_v, otid_hbm.at[pl.ds(base, R)], nsem)

  def phase_c(i, counts):
    cnt, cnt2 = counts
    wv = win_v[pl.ds(i * L, L)]
    rowv = base + i * L + lane
    have = wv >= 0
    keep = (~have) & (rowv < M)
    plsc.store_compressed(rows_v.at[pl.ds(cnt, L)], rowv, mask=have)
    plsc.store_compressed(jlist_v.at[pl.ds(cnt, L)], wv, mask=have)
    plsc.store_compressed(keep_v.at[pl.ds(cnt2, L)], rowv, mask=keep)
    npc = plsc.all_reduce_population_count(have)
    npc2 = plsc.all_reduce_population_count(keep)
    return (cnt + lax.reduce_max(npc, (0,)),
            cnt2 + lax.reduce_max(npc2, (0,)))

  cnt, cnt2 = lax.fori_loop(0, NV, phase_c, (0, 0))
  ncw = (cnt + L - 1) // L
  nck = (cnt2 + L - 1) // L

  def pad_winner(c, carry):
    jv = jlist_v[pl.ds(c * L, L)]
    rv = rows_v[pl.ds(c * L, L)]
    valid = (c * L + lane) < cnt
    pad = plsc.cummax(jnp.where(valid, rv * 8192 + jv, -1))
    jlist_v[pl.ds(c * L, L)] = jnp.where(
        valid, jv, lax.bitwise_and(pad, 8191))
    rows_v[pl.ds(c * L, L)] = jnp.where(
        valid, rv, lax.shift_right_logical(pad, 13))
    return carry

  def pad_keeper(c, carry):
    rv = keep_v[pl.ds(c * L, L)]
    valid = (c * L + lane) < cnt2
    keep_v[pl.ds(c * L, L)] = jnp.where(
        valid, rv, plsc.cummax(jnp.where(valid, rv, -1)))
    return carry

  lax.fori_loop(jnp.maximum(ncw - 1, 0), ncw, pad_winner, 0)
  lax.fori_loop(jnp.maximum(nck - 1, 0), nck, pad_keeper, 0)

  kb = ncw * L

  def fire_wg(c, carry, *, sem):
    jv = jlist_v[pl.ds(c * L, L)]
    pltpu.async_copy(val_hbm.at[jv], mbuf_v.at[pl.ds(c * L, L)], sem)
    return carry

  def drain_wg(c, carry, *, sem):
    jv = jlist_v[pl.ds(c * L, L)]
    pltpu.make_async_copy(
        val_hbm.at[jv], mbuf_v.at[pl.ds(c * L, L)], sem).wait()
    return carry

  def fire_kg(c, carry, *, sem):
    rv = keep_v[pl.ds(c * L, L)]
    pltpu.async_copy(mem_hbm.at[rv], mbuf_v.at[pl.ds(kb + c * L, L)], sem)
    return carry

  def drain_kg(c, carry, *, sem):
    rv = keep_v[pl.ds(c * L, L)]
    pltpu.make_async_copy(
        mem_hbm.at[rv], mbuf_v.at[pl.ds(kb + c * L, L)], sem).wait()
    return carry

  def fire_ws(c, carry):
    rv = rows_v[pl.ds(c * L, L)]
    pltpu.async_copy(mbuf_v.at[pl.ds(c * L, L)], out_hbm.at[rv], ssem)
    return carry

  def fire_ks(c, carry):
    rv = keep_v[pl.ds(c * L, L)]
    pltpu.async_copy(mbuf_v.at[pl.ds(kb + c * L, L)], out_hbm.at[rv], ssem)
    return carry

  def drain_ws(c, carry):
    rv = rows_v[pl.ds(c * L, L)]
    pltpu.make_async_copy(
        mbuf_v.at[pl.ds(c * L, L)], out_hbm.at[rv], ssem).wait()
    return carry

  def drain_ks(c, carry):
    rv = keep_v[pl.ds(c * L, L)]
    pltpu.make_async_copy(
        mbuf_v.at[pl.ds(kb + c * L, L)], out_hbm.at[rv], ssem).wait()
    return carry

  lax.fori_loop(0, ncw, functools.partial(fire_wg, sem=gsem), 0)
  lax.fori_loop(0, nck, functools.partial(fire_kg, sem=g2sem), 0)
  lax.fori_loop(0, ncw, functools.partial(drain_wg, sem=gsem), 0)
  lax.fori_loop(0, ncw, fire_ws, 0)
  lax.fori_loop(0, nck, functools.partial(drain_kg, sem=g2sem), 0)
  lax.fori_loop(0, nck, fire_ks, 0)
  lax.fori_loop(0, ncw, drain_ws, 0)
  lax.fori_loop(0, nck, drain_ks, 0)
  pltpu.make_async_copy(tid_v, otid_hbm.at[pl.ds(base, R)], nsem).wait()
  del cp_otid


@jax.jit
def kernel(mem, task_ids, idx, val, new_task_ids):
  M, D = mem.shape
  B = idx.shape[0]
  NW = NC * NS
  R = L * ((M + L * NW - 1) // (L * NW))

  mesh = plsc.VectorSubcoreMesh(
      core_axis_name="c", subcore_axis_name="s", num_cores=NC,
      num_subcores=NS)
  f = pl.kernel(
      _sc_store,
      out_type=(
          jax.ShapeDtypeStruct((M, D), jnp.float32),
          jax.ShapeDtypeStruct((M,), jnp.int32),
      ),
      mesh=mesh,
      compiler_params=pltpu.CompilerParams(
          needs_layout_passes=False,
          skip_device_barrier=True,
          disable_bounds_checks=True,
          disable_semaphore_checks=True,
      ),
      scratch_types=[
          pltpu.VMEM((B,), jnp.int32),
          pltpu.VMEM((B,), jnp.int32),
          pltpu.VMEM((R,), jnp.int32),
          pltpu.VMEM((R + L,), jnp.int32),
          pltpu.VMEM((R + L,), jnp.int32),
          pltpu.VMEM((R + L,), jnp.int32),
          pltpu.VMEM((R,), jnp.int32),
          pltpu.VMEM((R + 2 * L, D), jnp.float32),
          pltpu.SemaphoreType.DMA,
          pltpu.SemaphoreType.DMA,
          pltpu.SemaphoreType.DMA,
          pltpu.SemaphoreType.DMA,
          pltpu.SemaphoreType.DMA,
          pltpu.SemaphoreType.DMA,
      ],
  )
  return f(mem, task_ids, idx, val, new_task_ids)

# --- scband reference (transcript-rebuilt; emitter-appended) ---
"""Pipeline reference for scband-task-emb-memory-18184891532122 (READ-ONLY COPY).

The authoritative reference and input builder live on the scoring server;
editing this copy changes nothing except your own understanding.
"""

import jax, jax.numpy as jnp
import numpy as np


def setup_inputs(seed: int = 0) -> dict:
    key = jax.random.key(seed)
    k1, k2, k3 = jax.random.split(key, 3)
    M, d, B = 10000, 256, 8192
    mem = jnp.zeros((M, d), dtype=jnp.float32)
    task_ids = jnp.zeros((M,), dtype=jnp.int32)
    idx = jax.random.randint(k1, (B,), 0, M, dtype=jnp.int32)
    val = jax.random.normal(k2, (B, d), dtype=jnp.float32)
    new_task_ids = jax.random.randint(k3, (B,), 0, 1000, dtype=jnp.int32)
    return {"mem": mem, "task_ids": task_ids, "idx": idx, "val": val, "new_task_ids": new_task_ids}


def reference(mem, task_ids, idx, val, new_task_ids):
    # Vectorized form of TaskEmbMemory.store(): each write j overwrites
    # self.x[j] = task_emb and self.task_ids[j] = task_id (scatter-overwrite).
    mem_updated = mem.at[idx].set(val)
    tid_updated = task_ids.at[idx].set(new_task_ids)
    return mem_updated, tid_updated

if __name__ == "__main__":
    import jax
    _d = setup_inputs()
    print(jax.jit(kernel)(*tuple(_d.values())))

</pallas_src>

<mosaic_0001>
#map = affine_map<(d0, d1) -> (0, 0)>
#map1 = affine_map<(d0, d1) -> (0)>
module attributes {stable_mosaic.version = 14 : i64} {
  func.func @_sc_store(%arg0: i32, %arg1: i32, %arg2: memref<10000x256xf32, #tpu.memory_space<hbm>>, %arg3: memref<10000xi32, #tpu.memory_space<hbm>>, %arg4: memref<8192xi32, #tpu.memory_space<hbm>>, %arg5: memref<8192x256xf32, #tpu.memory_space<hbm>>, %arg6: memref<8192xi32, #tpu.memory_space<hbm>>, %arg7: memref<10000x256xf32, #tpu.memory_space<hbm>>, %arg8: memref<10000xi32, #tpu.memory_space<hbm>>, %arg9: memref<8192xi32, #tpu.memory_space<vmem>>, %arg10: memref<8192xi32, #tpu.memory_space<vmem>>, %arg11: memref<320xi32, #tpu.memory_space<vmem>>, %arg12: memref<336xi32, #tpu.memory_space<vmem>>, %arg13: memref<336xi32, #tpu.memory_space<vmem>>, %arg14: memref<336xi32, #tpu.memory_space<vmem>>, %arg15: memref<320xi32, #tpu.memory_space<vmem>>, %arg16: memref<352x256xf32, #tpu.memory_space<vmem>>, %arg17: memref<!tpu.dma_semaphore, #tpu.memory_space<semaphore_mem>>, %arg18: memref<!tpu.dma_semaphore, #tpu.memory_space<semaphore_mem>>, %arg19: memref<!tpu.dma_semaphore, #tpu.memory_space<semaphore_mem>>, %arg20: memref<!tpu.dma_semaphore, #tpu.memory_space<semaphore_mem>>, %arg21: memref<!tpu.dma_semaphore, #tpu.memory_space<semaphore_mem>>, %arg22: memref<!tpu.dma_semaphore, #tpu.memory_space<semaphore_mem>>) attributes {dimension_semantics = [#tpu.dimension_semantics<core_parallel>, #tpu.dimension_semantics<subcore_parallel>], iteration_bounds = array<i64: 2, 16>, scalar_prefetch = 0 : i64, scratch_operands = 14 : i64, tpu.core_type = #tpu.core_type<sc_vector_subcore>, window_params = [{transform_indices = #map}, {transform_indices = #map1}, {transform_indices = #map1}, {transform_indices = #map}, {transform_indices = #map1}, {transform_indices = #map}, {transform_indices = #map1}]} {
    %mul3A = arith.constant 16 : i32
    %mul3A_0 = arith.muli %arg0, %mul3A : i32
    %add3A = arith.addi %mul3A_0, %arg1 : i32
    %mul3A_1 = arith.constant 320 : i32
    %mul3A_2 = arith.muli %add3A, %mul3A_1 : i32
    %min3A = arith.constant 9680 : i32
    %min3A_3 = arith.minsi %mul3A_2, %min3A : i32
    %iota3A = tpu.iota {dimensions = array<i32: 0>} : vector<16xi32>
    %dma_start3A = arith.constant 0 : i32
    %dma_start3A_4 = tpu.memref_slice %arg9[%dma_start3A] : memref<8192xi32, #tpu.memory_space<vmem>> -> memref<4096xi32, #tpu.memory_space<vmem>>
    %dma_start3A_5 = arith.constant 0 : i32
    %dma_start3A_6 = tpu.memref_slice %arg4[%dma_start3A_5] : memref<8192xi32, #tpu.memory_space<hbm>> -> memref<4096xi32, #tpu.memory_space<hbm>>
    %dma_start3A_7 = arith.constant 0 : i32
    %dma_start3A_8 = tpu.memref_slice %arg9[%dma_start3A_7] : memref<8192xi32, #tpu.memory_space<vmem>> -> memref<4096xi32, #tpu.memory_space<vmem>>
    %dma_start3A_9 = arith.constant 0 : i32
    %dma_start3A_10 = tpu.memref_slice %arg4[%dma_start3A_9] : memref<8192xi32, #tpu.memory_space<hbm>> -> memref<4096xi32, #tpu.memory_space<hbm>>
    tpu.enqueue_dma source(%dma_start3A_10 : memref<4096xi32, #tpu.memory_space<hbm>>) target(%dma_start3A_8 : memref<4096xi32, #tpu.memory_space<vmem>>) target_semaphore(%arg17 : memref<!tpu.dma_semaphore, #tpu.memory_space<semaphore_mem>>)
    %dma_start3A_11 = arith.constant 4096 : i32
    %dma_start3A_12 = tpu.memref_slice %arg9[%dma_start3A_11] : memref<8192xi32, #tpu.memory_space<vmem>> -> memref<4096xi32, #tpu.memory_space<vmem>>
    %dma_start3A_13 = arith.constant 4096 : i32
    %dma_start3A_14 = tpu.memref_slice %arg4[%dma_start3A_13] : memref<8192xi32, #tpu.memory_space<hbm>> -> memref<4096xi32, #tpu.memory_space<hbm>>
    %dma_start3A_15 = arith.constant 4096 : i32
    %dma_start3A_16 = tpu.memref_slice %arg9[%dma_start3A_15] : memref<8192xi32, #tpu.memory_space<vmem>> -> memref<4096xi32, #tpu.memory_space<vmem>>
    %dma_start3A_17 = arith.constant 4096 : i32
    %dma_start3A_18 = tpu.memref_slice %arg4[%dma_start3A_17] : memref<8192xi32, #tpu.memory_space<hbm>> -> memref<4096xi32, #tpu.memory_space<hbm>>
    tpu.enqueue_dma source(%dma_start3A_18 : memref<4096xi32, #tpu.memory_space<hbm>>) target(%dma_start3A_16 : memref<4096xi32, #tpu.memory_space<vmem>>) target_semaphore(%arg18 : memref<!tpu.dma_semaphore, #tpu.memory_space<semaphore_mem>>)
    tpu.enqueue_dma source(%arg6 : memref<8192xi32, #tpu.memory_space<hbm>>) target(%arg10 : memref<8192xi32, #tpu.memory_space<vmem>>) target_semaphore(%arg19 : memref<!tpu.dma_semaphore, #tpu.memory_space<semaphore_mem>>)
    %dma_start3A_19 = tpu.memref_slice %arg3[%min3A_3] : memref<10000xi32, #tpu.memory_space<hbm>> -> memref<320xi32, #tpu.memory_space<hbm>>
    %dma_start3A_20 = tpu.memref_slice %arg3[%min3A_3] : memref<10000xi32, #tpu.memory_space<hbm>> -> memref<320xi32, #tpu.memory_space<hbm>>
    tpu.enqueue_dma source(%dma_start3A_20 : memref<320xi32, #tpu.memory_space<hbm>>) target(%arg15 : memref<320xi32, #tpu.memory_space<vmem>>) target_semaphore(%arg19 : memref<!tpu.dma_semaphore, #tpu.memory_space<semaphore_mem>>)
    %broadcast_in_dim3A = arith.constant -1 : i32
    %broadcast_in_dim3A_21 = vector.broadcast %broadcast_in_dim3A : i32 to vector<16xi32>
    %swap3A = arith.constant 0 : index
    %swap3A_22 = tpu.vector_load %arg11[%swap3A] {strides = array<i32>} : memref<320xi32, #tpu.memory_space<vmem>>, vector<16xi32>,
    tpu.vector_store %arg11[%swap3A], %broadcast_in_dim3A_21 {strides = array<i32>} : memref<320xi32, #tpu.memory_space<vmem>>, vector<16xi32>,
    %broadcast_in_dim3A_23 = arith.constant -1 : i32
    %broadcast_in_dim3A_24 = vector.broadcast %broadcast_in_dim3A_23 : i32 to vector<16xi32>
    %swap3A_25 = arith.constant 16 : index
    %swap3A_26 = tpu.vector_load %arg11[%swap3A_25] {strides = array<i32>} : memref<320xi32, #tpu.memory_space<vmem>>, vector<16xi32>,
    tpu.vector_store %arg11[%swap3A_25], %broadcast_in_dim3A_24 {strides = array<i32>} : memref<320xi32, #tpu.memory_space<vmem>>, vector<16xi32>,
    %broadcast_in_dim3A_27 = arith.constant -1 : i32
    %broadcast_in_dim3A_28 = vector.broadcast %broadcast_in_dim3A_27 : i32 to vector<16xi32>
    %swap3A_29 = arith.constant 32 : index
    %swap3A_30 = tpu.vector_load %arg11[%swap3A_29] {strides = array<i32>} : memref<320xi32, #tpu.memory_space<vmem>>, vector<16xi32>,
    tpu.vector_store %arg11[%swap3A_29], %broadcast_in_dim3A_28 {strides = array<i32>} : memref<320xi32, #tpu.memory_space<vmem>>, vector<16xi32>,
    %broadcast_in_dim3A_31 = arith.constant -1 : i32
    %broadcast_in_dim3A_32 = vector.broadcast %broadcast_in_dim3A_31 : i32 to vector<16xi32>
    %swap3A_33 = arith.constant 48 : index
    %swap3A_34 = tpu.vector_load %arg11[%swap3A_33] {strides = array<i32>} : memref<320xi32, #tpu.memory_space<vmem>>, vector<16xi32>,
    tpu.vector_store %arg11[%swap3A_33], %broadcast_in_dim3A_32 {strides = array<i32>} : memref<320xi32, #tpu.memory_space<vmem>>, vector<16xi32>,
    %broadcast_in_dim3A_35 = arith.constant -1 : i32
    %broadcast_in_dim3A_36 = vector.broadcast %broadcast_in_dim3A_35 : i32 to vector<16xi32>
    %swap3A_37 = arith.constant 64 : index
    %swap3A_38 = tpu.vector_load %arg11[%swap3A_37] {strides = array<i32>} : memref<320xi32, #tpu.memory_space<vmem>>, vector<16xi32>,
    tpu.vector_store %arg11[%swap3A_37], %broadcast_in_dim3A_36 {strides = array<i32>} : memref<320xi32, #tpu.memory_space<vmem>>, vector<16xi32>,
    %broadcast_in_dim3A_39 = arith.constant -1 : i32
    %broadcast_in_dim3A_40 = vector.broadcast %broadcast_in_dim3A_39 : i32 to vector<16xi32>
    %swap3A_41 = arith.constant 80 : index
    %swap3A_42 = tpu.vector_load %arg11[%swap3A_41] {strides = array<i32>} : memref<320xi32, #tpu.memory_space<vmem>>, vector<16xi32>,
    tpu.vector_store %arg11[%swap3A_41], %broadcast_in_dim3A_40 {strides = array<i32>} : memref<320xi32, #tpu.memory_space<vmem>>, vector<16xi32>,
    %broadcast_in_dim3A_43 = arith.constant -1 : i32
    %broadcast_in_dim3A_44 = vector.broadcast %broadcast_in_dim3A_43 : i32 to vector<16xi32>
    %swap3A_45 = arith.constant 96 : index
    %swap3A_46 = tpu.vector_load %arg11[%swap3A_45] {strides = array<i32>} : memref<320xi32, #tpu.memory_space<vmem>>, vector<16xi32>,
    tpu.vector_store %arg11[%swap3A_45], %broadcast_in_dim3A_44 {strides = array<i32>} : memref<320xi32, #tpu.memory_space<vmem>>, vector<16xi32>,
    %broadcast_in_dim3A_47 = arith.constant -1 : i32
    %broadcast_in_dim3A_48 = vector.broadcast %broadcast_in_dim3A_47 : i32 to vector<16xi32>
    %swap3A_49 = arith.constant 112 : index
    %swap3A_50 = tpu.vector_load %arg11[%swap3A_49] {strides = array<i32>} : memref<320xi32, #tpu.memory_space<vmem>>, vector<16xi32>,
    tpu.vector_store %arg11[%swap3A_49], %broadcast_in_dim3A_48 {strides = array<i32>} : memref<320xi32, #tpu.memory_space<vmem>>, vector<16xi32>,
    %broadcast_in_dim3A_51 = arith.constant -1 : i32
    %broadcast_in_dim3A_52 = vector.broadcast %broadcast_in_dim3A_51 : i32 to vector<16xi32>
    %swap3A_53 = arith.constant 128 : index
    %swap3A_54 = tpu.vector_load %arg11[%swap3A_53] {strides = array<i32>} : memref<320xi32, #tpu.memory_space<vmem>>, vector<16xi32>,
    tpu.vector_store %arg11[%swap3A_53], %broadcast_in_dim3A_52 {strides = array<i32>} : memref<320xi32, #tpu.memory_space<vmem>>, vector<16xi32>,
    %broadcast_in_dim3A_55 = arith.constant -1 : i32
    %broadcast_in_dim3A_56 = vector.broadcast %broadcast_in_dim3A_55 : i32 to vector<16xi32>
    %swap3A_57 = arith.constant 144 : index
    %swap3A_58 = tpu.vector_load %arg11[%swap3A_57] {strides = array<i32>} : memref<320xi32, #tpu.memory_space<vmem>>, vector<16xi32>,
    tpu.vector_store %arg11[%swap3A_57], %broadcast_in_dim3A_56 {strides = array<i32>} : memref<320xi32, #tpu.memory_space<vmem>>, vector<16xi32>,
    %broadcast_in_dim3A_59 = arith.constant -1 : i32
    %broadcast_in_dim3A_60 = vector.broadcast %broadcast_in_dim3A_59 : i32 to vector<16xi32>
    %swap3A_61 = arith.constant 160 : index
    %swap3A_62 = tpu.vector_load %arg11[%swap3A_61] {strides = array<i32>} : memref<320xi32, #tpu.memory_space<vmem>>, vector<16xi32>,
    tpu.vector_store %arg11[%swap3A_61], %broadcast_in_dim3A_60 {strides = array<i32>} : memref<320xi32, #tpu.memory_space<vmem>>, vector<16xi32>,
    %broadcast_in_dim3A_63 = arith.constant -1 : i32
    %broadcast_in_dim3A_64 = vector.broadcast %broadcast_in_dim3A_63 : i32 to vector<16xi32>
    %swap3A_65 = arith.constant 176 : index
    %swap3A_66 = tpu.vector_load %arg11[%swap3A_65] {strides = array<i32>} : memref<320xi32, #tpu.memory_space<vmem>>, vector<16xi32>,
    tpu.vector_store %arg11[%swap3A_65], %broadcast_in_dim3A_64 {strides = array<i32>} : memref<320xi32, #tpu.memory_space<vmem>>, vector<16xi32>,
    %broadcast_in_dim3A_67 = arith.constant -1 : i32
    %broadcast_in_dim3A_68 = vector.broadcast %broadcast_in_dim3A_67 : i32 to vector<16xi32>
    %swap3A_69 = arith.constant 192 : index
    %swap3A_70 = tpu.vector_load %arg11[%swap3A_69] {strides = array<i32>} : memref<320xi32, #tpu.memory_space<vmem>>, vector<16xi32>,
    tpu.vector_store %arg11[%swap3A_69], %broadcast_in_dim3A_68 {strides = array<i32>} : memref<320xi32, #tpu.memory_space<vmem>>, vector<16xi32>,
    %broadcast_in_dim3A_71 = arith.constant -1 : i32
    %broadcast_in_dim3A_72 = vector.broadcast %broadcast_in_dim3A_71 : i32 to vector<16xi32>
    %swap3A_73 = arith.constant 208 : index
    %swap3A_74 = tpu.vector_load %arg11[%swap3A_73] {strides = array<i32>} : memref<320xi32, #tpu.memory_space<vmem>>, vector<16xi32>,
    tpu.vector_store %arg11[%swap3A_73], %broadcast_in_dim3A_72 {strides = array<i32>} : memref<320xi32, #tpu.memory_space<vmem>>, vector<16xi32>,
    %broadcast_in_dim3A_75 = arith.constant -1 : i32
    %broadcast_in_dim3A_76 = vector.broadcast %broadcast_in_dim3A_75 : i32 to vector<16xi32>
    %swap3A_77 = arith.constant 224 : index
    %swap3A_78 = tpu.vector_load %arg11[%swap3A_77] {strides = array<i32>} : memref<320xi32, #tpu.memory_space<vmem>>, vector<16xi32>,
    tpu.vector_store %arg11[%swap3A_77], %broadcast_in_dim3A_76 {strides = array<i32>} : memref<320xi32, #tpu.memory_space<vmem>>, vector<16xi32>,
    %broadcast_in_dim3A_79 = arith.constant -1 : i32
    %broadcast_in_dim3A_80 = vector.broadcast %broadcast_in_dim3A_79 : i32 to vector<16xi32>
    %swap3A_81 = arith.constant 240 : index
    %swap3A_82 = tpu.vector_load %arg11[%swap3A_81] {strides = array<i32>} : memref<320xi32, #tpu.memory_space<vmem>>, vector<16xi32>,
    tpu.vector_store %arg11[%swap3A_81], %broadcast_in_dim3A_80 {strides = array<i32>} : memref<320xi32, #tpu.memory_space<vmem>>, vector<16xi32>,
    %broadcast_in_dim3A_83 = arith.constant -1 : i32
    %broadcast_in_dim3A_84 = vector.broadcast %broadcast_in_dim3A_83 : i32 to vector<16xi32>
    %swap3A_85 = arith.constant 256 : index
    %swap3A_86 = tpu.vector_load %arg11[%swap3A_85] {strides = array<i32>} : memref<320xi32, #tpu.memory_space<vmem>>, vector<16xi32>,
    tpu.vector_store %arg11[%swap3A_85], %broadcast_in_dim3A_84 {strides = array<i32>} : memref<320xi32, #tpu.memory_space<vmem>>, vector<16xi32>,
    %broadcast_in_dim3A_87 = arith.constant -1 : i32
    %broadcast_in_dim3A_88 = vector.broadcast %broadcast_in_dim3A_87 : i32 to vector<16xi32>
    %swap3A_89 = arith.constant 272 : index
    %swap3A_90 = tpu.vector_load %arg11[%swap3A_89] {strides = array<i32>} : memref<320xi32, #tpu.memory_space<vmem>>, vector<16xi32>,
    tpu.vector_store %arg11[%swap3A_89], %broadcast_in_dim3A_88 {strides = array<i32>} : memref<320xi32, #tpu.memory_space<vmem>>, vector<16xi32>,
    %broadcast_in_dim3A_91 = arith.constant -1 : i32
    %broadcast_in_dim3A_92 = vector.broadcast %broadcast_in_dim3A_91 : i32 to vector<16xi32>
    %swap3A_93 = arith.constant 288 : index
    %swap3A_94 = tpu.vector_load %arg11[%swap3A_93] {strides = array<i32>} : memref<320xi32, #tpu.memory_space<vmem>>, vector<16xi32>,
    tpu.vector_store %arg11[%swap3A_93], %broadcast_in_dim3A_92 {strides = array<i32>} : memref<320xi32, #tpu.memory_space<vmem>>, vector<16xi32>,
    %broadcast_in_dim3A_95 = arith.constant -1 : i32
    %broadcast_in_dim3A_96 = vector.broadcast %broadcast_in_dim3A_95 : i32 to vector<16xi32>
    %swap3A_97 = arith.constant 304 : index
    %swap3A_98 = tpu.vector_load %arg11[%swap3A_97] {strides = array<i32>} : memref<320xi32, #tpu.memory_space<vmem>>, vector<16xi32>,
    tpu.vector_store %arg11[%swap3A_97], %broadcast_in_dim3A_96 {strides = array<i32>} : memref<320xi32, #tpu.memory_space<vmem>>, vector<16xi32>,
    %dma_wait3A = arith.constant 0 : i32
    %dma_wait3A_99 = tpu.memref_slice %arg9[%dma_wait3A] : memref<8192xi32, #tpu.memory_space<vmem>> -> memref<4096xi32, #tpu.memory_space<vmem>>
    %dma_wait3A_100 = arith.constant 0 : i32
    %dma_wait3A_101 = tpu.memref_slice %arg4[%dma_wait3A_100] : memref<8192xi32, #tpu.memory_space<hbm>> -> memref<4096xi32, #tpu.memory_space<hbm>>
    %dma_wait3A_102 = arith.constant 0 : i32
    %dma_wait3A_103 = tpu.memref_slice %arg9[%dma_wait3A_102] : memref<8192xi32, #tpu.memory_space<vmem>> -> memref<4096xi32, #tpu.memory_space<vmem>>
    %dma_wait3A_104 = arith.constant 0 : i32
    %dma_wait3A_105 = tpu.memref_slice %arg4[%dma_wait3A_104] : memref<8192xi32, #tpu.memory_space<hbm>> -> memref<4096xi32, #tpu.memory_space<hbm>>
    tpu.wait_dma2 semaphore(%arg17 : memref<!tpu.dma_semaphore, #tpu.memory_space<semaphore_mem>>) src(%dma_wait3A_105 : memref<4096xi32, #tpu.memory_space<hbm>>) dst(%dma_wait3A_103 : memref<4096xi32, #tpu.memory_space<vmem>>)
    %scan3A = arith.constant 0 : i32
    %scan3A_106 = arith.constant 0 : i32
    %scan3A_107 = arith.constant 32 : i32
    %scan3A_108 = arith.addi %scan3A_106, %scan3A_107 : i32
    %scan3A_109 = arith.constant 1 : i32
    scf.for %scan3A_570 = %scan3A_106 to %scan3A_108 step %scan3A_109  : i32 {
      %mul3A_571 = arith.constant 8 : i32
      %mul3A_572 = arith.muli %scan3A_570, %mul3A_571 : i32
      %add3A_573 = arith.constant 0 : i32
      %add3A_574 = arith.addi %mul3A_572, %add3A_573 : i32
      %mul3A_575 = arith.constant 16 : i32
      %mul3A_576 = arith.muli %add3A_574, %mul3A_575 : i32
      %get3A_577 = arith.index_cast %mul3A_576 : i32 to index
      %get3A_578 = tpu.vector_load %arg9[%get3A_577] {strides = array<i32>} : memref<8192xi32, #tpu.memory_space<vmem>>, vector<16xi32>,
      %mul3A_579 = arith.constant 8 : i32
      %mul3A_580 = arith.muli %scan3A_570, %mul3A_579 : i32
      %add3A_581 = arith.constant 1 : i32
      %add3A_582 = arith.addi %mul3A_580, %add3A_581 : i32
      %mul3A_583 = arith.constant 16 : i32
      %mul3A_584 = arith.muli %add3A_582, %mul3A_583 : i32
      %get3A_585 = arith.index_cast %mul3A_584 : i32 to index
      %get3A_586 = tpu.vector_load %arg9[%get3A_585] {strides = array<i32>} : memref<8192xi32, #tpu.memory_space<vmem>>, vector<16xi32>,
      %mul3A_587 = arith.constant 8 : i32
      %mul3A_588 = arith.muli %scan3A_570, %mul3A_587 : i32
      %add3A_589 = arith.constant 2 : i32
      %add3A_590 = arith.addi %mul3A_588, %add3A_589 : i32
      %mul3A_591 = arith.constant 16 : i32
      %mul3A_592 = arith.muli %add3A_590, %mul3A_591 : i32
      %get3A_593 = arith.index_cast %mul3A_592 : i32 to index
      %get3A_594 = tpu.vector_load %arg9[%get3A_593] {strides = array<i32>} : memref<8192xi32, #tpu.memory_space<vmem>>, vector<16xi32>,
      %mul3A_595 = arith.constant 8 : i32
      %mul3A_596 = arith.muli %scan3A_570, %mul3A_595 : i32
      %add3A_597 = arith.constant 3 : i32
      %add3A_598 = arith.addi %mul3A_596, %add3A_597 : i32
      %mul3A_599 = arith.constant 16 : i32
      %mul3A_600 = arith.muli %add3A_598, %mul3A_599 : i32
      %get3A_601 = arith.index_cast %mul3A_600 : i32 to index
      %get3A_602 = tpu.vector_load %arg9[%get3A_601] {strides = array<i32>} : memref<8192xi32, #tpu.memory_space<vmem>>, vector<16xi32>,
      %mul3A_603 = arith.constant 8 : i32
      %mul3A_604 = arith.muli %scan3A_570, %mul3A_603 : i32
      %add3A_605 = arith.constant 4 : i32
      %add3A_606 = arith.addi %mul3A_604, %add3A_605 : i32
      %mul3A_607 = arith.constant 16 : i32
      %mul3A_608 = arith.muli %add3A_606, %mul3A_607 : i32
      %get3A_609 = arith.index_cast %mul3A_608 : i32 to index
      %get3A_610 = tpu.vector_load %arg9[%get3A_609] {strides = array<i32>} : memref<8192xi32, #tpu.memory_space<vmem>>, vector<16xi32>,
      %mul3A_611 = arith.constant 8 : i32
      %mul3A_612 = arith.muli %scan3A_570, %mul3A_611 : i32
      %add3A_613 = arith.constant 5 : i32
      %add3A_614 = arith.addi %mul3A_612, %add3A_613 : i32
      %mul3A_615 = arith.constant 16 : i32
      %mul3A_616 = arith.muli %add3A_614, %mul3A_615 : i32
      %get3A_617 = arith.index_cast %mul3A_616 : i32 to index
      %get3A_618 = tpu.vector_load %arg9[%get3A_617] {strides = array<i32>} : memref<8192xi32, #tpu.memory_space<vmem>>, vector<16xi32>,
      %mul3A_619 = arith.constant 8 : i32
      %mul3A_620 = arith.muli %scan3A_570, %mul3A_619 : i32
      %add3A_621 = arith.constant 6 : i32
      %add3A_622 = arith.addi %mul3A_620, %add3A_621 : i32
      %mul3A_623 = arith.constant 16 : i32
      %mul3A_624 = arith.muli %add3A_622, %mul3A_623 : i32
      %get3A_625 = arith.index_cast %mul3A_624 : i32 to index
      %get3A_626 = tpu.vector_load %arg9[%get3A_625] {strides = array<i32>} : memref<8192xi32, #tpu.memory_space<vmem>>, vector<16xi32>,
      %mul3A_627 = arith.constant 8 : i32
      %mul3A_628 = arith.muli %scan3A_570, %mul3A_627 : i32
      %add3A_629 = arith.constant 7 : i32
      %add3A_630 = arith.addi %mul3A_628, %add3A_629 : i32
      %mul3A_631 = arith.constant 16 : i32
      %mul3A_632 = arith.muli %add3A_630, %mul3A_631 : i32
      %get3A_633 = arith.index_cast %mul3A_632 : i32 to index
      %get3A_634 = tpu.vector_load %arg9[%get3A_633] {strides = array<i32>} : memref<8192xi32, #tpu.memory_space<vmem>>, vector<16xi32>,
      %broadcast_in_dim3A_635 = arith.constant true
      %broadcast_in_dim3A_636 = vector.broadcast %broadcast_in_dim3A_635 : i1 to vector<16xi1>
      %unique3A, %unique3A_637 = tpu.scan_count mask(%broadcast_in_dim3A_636 : vector<16xi1>) value(%get3A_578 : vector<16xi32>) : vector<16xi1>, vector<16xi32>
      %broadcast_in_dim3A_638 = arith.constant true
      %broadcast_in_dim3A_639 = vector.broadcast %broadcast_in_dim3A_638 : i1 to vector<16xi1>
      %unique3A_640, %unique3A_641 = tpu.scan_count mask(%broadcast_in_dim3A_639 : vector<16xi1>) value(%get3A_586 : vector<16xi32>) : vector<16xi1>, vector<16xi32>
      %broadcast_in_dim3A_642 = arith.constant true
      %broadcast_in_dim3A_643 = vector.broadcast %broadcast_in_dim3A_642 : i1 to vector<16xi1>
      %unique3A_644, %unique3A_645 = tpu.scan_count mask(%broadcast_in_dim3A_643 : vector<16xi1>) value(%get3A_594 : vector<16xi32>) : vector<16xi1>, vector<16xi32>
      %broadcast_in_dim3A_646 = arith.constant true
      %broadcast_in_dim3A_647 = vector.broadcast %broadcast_in_dim3A_646 : i1 to vector<16xi1>
      %unique3A_648, %unique3A_649 = tpu.scan_count mask(%broadcast_in_dim3A_647 : vector<16xi1>) value(%get3A_602 : vector<16xi32>) : vector<16xi1>, vector<16xi32>
      %broadcast_in_dim3A_650 = arith.constant true
      %broadcast_in_dim3A_651 = vector.broadcast %broadcast_in_dim3A_650 : i1 to vector<16xi1>
      %unique3A_652, %unique3A_653 = tpu.scan_count mask(%broadcast_in_dim3A_651 : vector<16xi1>) value(%get3A_610 : vector<16xi32>) : vector<16xi1>, vector<16xi32>
      %broadcast_in_dim3A_654 = arith.constant true
      %broadcast_in_dim3A_655 = vector.broadcast %broadcast_in_dim3A_654 : i1 to vector<16xi1>
      %unique3A_656, %unique3A_657 = tpu.scan_count mask(%broadcast_in_dim3A_655 : vector<16xi1>) value(%get3A_618 : vector<16xi32>) : vector<16xi1>, vector<16xi32>
      %broadcast_in_dim3A_658 = arith.constant true
      %broadcast_in_dim3A_659 = vector.broadcast %broadcast_in_dim3A_658 : i1 to vector<16xi1>
      %unique3A_660, %unique3A_661 = tpu.scan_count mask(%broadcast_in_dim3A_659 : vector<16xi1>) value(%get3A_626 : vector<16xi32>) : vector<16xi1>, vector<16xi32>
      %broadcast_in_dim3A_662 = arith.constant true
      %broadcast_in_dim3A_663 = vector.broadcast %broadcast_in_dim3A_662 : i1 to vector<16xi1>
      %unique3A_664, %unique3A_665 = tpu.scan_count mask(%broadcast_in_dim3A_663 : vector<16xi1>) value(%get3A_634 : vector<16xi32>) : vector<16xi1>, vector<16xi32>
      %ge3A_666 = vector.broadcast %min3A_3 : i32 to vector<16xi32>
      %ge3A_667 = arith.cmpi sge, %get3A_578, %ge3A_666 : vector<16xi32>
      %and3A_668 = arith.andi %unique3A, %ge3A_667 : vector<16xi1>
      %add3A_669 = arith.constant 320 : i32
      %add3A_670 = arith.addi %min3A_3, %add3A_669 : i32
      %lt3A = vector.broadcast %add3A_670 : i32 to vector<16xi32>
      %lt3A_671 = arith.cmpi slt, %get3A_578, %lt3A : vector<16xi32>
      %and3A_672 = arith.andi %and3A_668, %lt3A_671 : vector<16xi1>
      %sub3A_673 = vector.broadcast %min3A_3 : i32 to vector<16xi32>
      %sub3A_674 = arith.subi %get3A_578, %sub3A_673 : vector<16xi32>
      %jit3A_675 = arith.constant 0 : i32
      %broadcast_in_dim3A_676 = vector.broadcast %jit3A_675 : i32 to vector<16xi32>
      %select_n3A_677 = arith.select %and3A_672, %sub3A_674, %broadcast_in_dim3A_676 : vector<16xi1>, vector<16xi32>
      %mul3A_678 = arith.constant 8 : i32
      %mul3A_679 = arith.muli %scan3A_570, %mul3A_678 : i32
      %add3A_680 = arith.constant 0 : i32
      %add3A_681 = arith.addi %mul3A_679, %add3A_680 : i32
      %mul3A_682 = arith.constant 16 : i32
      %mul3A_683 = arith.muli %add3A_681, %mul3A_682 : i32
      %add3A_684 = vector.broadcast %mul3A_683 : i32 to vector<16xi32>
      %add3A_685 = arith.addi %add3A_684, %iota3A : vector<16xi32>
      tpu.vector_store_idx %arg11[%select_n3A_677], %add3A_685 masked %and3A_672 : memref<320xi32, #tpu.memory_space<vmem>>[vector<16xi32>], vector<16xi32>, vector<16xi1>
      %ge3A_686 = vector.broadcast %min3A_3 : i32 to vector<16xi32>
      %ge3A_687 = arith.cmpi sge, %get3A_586, %ge3A_686 : vector<16xi32>
      %and3A_688 = arith.andi %unique3A_640, %ge3A_687 : vector<16xi1>
      %add3A_689 = arith.constant 320 : i32
      %add3A_690 = arith.addi %min3A_3, %add3A_689 : i32
      %lt3A_691 = vector.broadcast %add3A_690 : i32 to vector<16xi32>
      %lt3A_692 = arith.cmpi slt, %get3A_586, %lt3A_691 : vector<16xi32>
      %and3A_693 = arith.andi %and3A_688, %lt3A_692 : vector<16xi1>
      %sub3A_694 = vector.broadcast %min3A_3 : i32 to vector<16xi32>
      %sub3A_695 = arith.subi %get3A_586, %sub3A_694 : vector<16xi32>
      %jit3A_696 = arith.constant 0 : i32
      %broadcast_in_dim3A_697 = vector.broadcast %jit3A_696 : i32 to vector<16xi32>
      %select_n3A_698 = arith.select %and3A_693, %sub3A_695, %broadcast_in_dim3A_697 : vector<16xi1>, vector<16xi32>
      %mul3A_699 = arith.constant 8 : i32
      %mul3A_700 = arith.muli %scan3A_570, %mul3A_699 : i32
      %add3A_701 = arith.constant 1 : i32
      %add3A_702 = arith.addi %mul3A_700, %add3A_701 : i32
      %mul3A_703 = arith.constant 16 : i32
      %mul3A_704 = arith.muli %add3A_702, %mul3A_703 : i32
      %add3A_705 = vector.broadcast %mul3A_704 : i32 to vector<16xi32>
      %add3A_706 = arith.addi %add3A_705, %iota3A : vector<16xi32>
      tpu.vector_store_idx %arg11[%select_n3A_698], %add3A_706 masked %and3A_693 : memref<320xi32, #tpu.memory_space<vmem>>[vector<16xi32>], vector<16xi32>, vector<16xi1>
      %ge3A_707 = vector.broadcast %min3A_3 : i32 to vector<16xi32>
      %ge3A_708 = arith.cmpi sge, %get3A_594, %ge3A_707 : vector<16xi32>
      %and3A_709 = arith.andi %unique3A_644, %ge3A_708 : vector<16xi1>
      %add3A_710 = arith.constant 320 : i32
      %add3A_711 = arith.addi %min3A_3, %add3A_710 : i32
      %lt3A_712 = vector.broadcast %add3A_711 : i32 to vector<16xi32>
      %lt3A_713 = arith.cmpi slt, %get3A_594, %lt3A_712 : vector<16xi32>
      %and3A_714 = arith.andi %and3A_709, %lt3A_713 : vector<16xi1>
      %sub3A_715 = vector.broadcast %min3A_3 : i32 to vector<16xi32>
      %sub3A_716 = arith.subi %get3A_594, %sub3A_715 : vector<16xi32>
      %jit3A_717 = arith.constant 0 : i32
      %broadcast_in_dim3A_718 = vector.broadcast %jit3A_717 : i32 to vector<16xi32>
      %select_n3A_719 = arith.select %and3A_714, %sub3A_716, %broadcast_in_dim3A_718 : vector<16xi1>, vector<16xi32>
      %mul3A_720 = arith.constant 8 : i32
      %mul3A_721 = arith.muli %scan3A_570, %mul3A_720 : i32
      %add3A_722 = arith.constant 2 : i32
      %add3A_723 = arith.addi %mul3A_721, %add3A_722 : i32
      %mul3A_724 = arith.constant 16 : i32
      %mul3A_725 = arith.muli %add3A_723, %mul3A_724 : i32
      %add3A_726 = vector.broadcast %mul3A_725 : i32 to vector<16xi32>
      %add3A_727 = arith.addi %add3A_726, %iota3A : vector<16xi32>
      tpu.vector_store_idx %arg11[%select_n3A_719], %add3A_727 masked %and3A_714 : memref<320xi32, #tpu.memory_space<vmem>>[vector<16xi32>], vector<16xi32>, vector<16xi1>
      %ge3A_728 = vector.broadcast %min3A_3 : i32 to vector<16xi32>
      %ge3A_729 = arith.cmpi sge, %get3A_602, %ge3A_728 : vector<16xi32>
      %and3A_730 = arith.andi %unique3A_648, %ge3A_729 : vector<16xi1>
      %add3A_731 = arith.constant 320 : i32
      %add3A_732 = arith.addi %min3A_3, %add3A_731 : i32
      %lt3A_733 = vector.broadcast %add3A_732 : i32 to vector<16xi32>
      %lt3A_734 = arith.cmpi slt, %get3A_602, %lt3A_733 : vector<16xi32>
      %and3A_735 = arith.andi %and3A_730, %lt3A_734 : vector<16xi1>
      %sub3A_736 = vector.broadcast %min3A_3 : i32 to vector<16xi32>
      %sub3A_737 = arith.subi %get3A_602, %sub3A_736 : vector<16xi32>
      %jit3A_738 = arith.constant 0 : i32
      %broadcast_in_dim3A_739 = vector.broadcast %jit3A_738 : i32 to vector<16xi32>
      %select_n3A_740 = arith.select %and3A_735, %sub3A_737, %broadcast_in_dim3A_739 : vector<16xi1>, vector<16xi32>
      %mul3A_741 = arith.constant 8 : i32
      %mul3A_742 = arith.muli %scan3A_570, %mul3A_741 : i32
      %add3A_743 = arith.constant 3 : i32
      %add3A_744 = arith.addi %mul3A_742, %add3A_743 : i32
      %mul3A_745 = arith.constant 16 : i32
      %mul3A_746 = arith.muli %add3A_744, %mul3A_745 : i32
      %add3A_747 = vector.broadcast %mul3A_746 : i32 to vector<16xi32>
      %add3A_748 = arith.addi %add3A_747, %iota3A : vector<16xi32>
      tpu.vector_store_idx %arg11[%select_n3A_740], %add3A_748 masked %and3A_735 : memref<320xi32, #tpu.memory_space<vmem>>[vector<16xi32>], vector<16xi32>, vector<16xi1>
      %ge3A_749 = vector.broadcast %min3A_3 : i32 to vector<16xi32>
      %ge3A_750 = arith.cmpi sge, %get3A_610, %ge3A_749 : vector<16xi32>
      %and3A_751 = arith.andi %unique3A_652, %ge3A_750 : vector<16xi1>
      %add3A_752 = arith.constant 320 : i32
      %add3A_753 = arith.addi %min3A_3, %add3A_752 : i32
      %lt3A_754 = vector.broadcast %add3A_753 : i32 to vector<16xi32>
      %lt3A_755 = arith.cmpi slt, %get3A_610, %lt3A_754 : vector<16xi32>
      %and3A_756 = arith.andi %and3A_751, %lt3A_755 : vector<16xi1>
      %sub3A_757 = vector.broadcast %min3A_3 : i32 to vector<16xi32>
      %sub3A_758 = arith.subi %get3A_610, %sub3A_757 : vector<16xi32>
      %jit3A_759 = arith.constant 0 : i32
      %broadcast_in_dim3A_760 = vector.broadcast %jit3A_759 : i32 to vector<16xi32>
      %select_n3A_761 = arith.select %and3A_756, %sub3A_758, %broadcast_in_dim3A_760 : vector<16xi1>, vector<16xi32>
      %mul3A_762 = arith.constant 8 : i32
      %mul3A_763 = arith.muli %scan3A_570, %mul3A_762 : i32
      %add3A_764 = arith.constant 4 : i32
      %add3A_765 = arith.addi %mul3A_763, %add3A_764 : i32
      %mul3A_766 = arith.constant 16 : i32
      %mul3A_767 = arith.muli %add3A_765, %mul3A_766 : i32
      %add3A_768 = vector.broadcast %mul3A_767 : i32 to vector<16xi32>
      %add3A_769 = arith.addi %add3A_768, %iota3A : vector<16xi32>
      tpu.vector_store_idx %arg11[%select_n3A_761], %add3A_769 masked %and3A_756 : memref<320xi32, #tpu.memory_space<vmem>>[vector<16xi32>], vector<16xi32>, vector<16xi1>
      %ge3A_770 = vector.broadcast %min3A_3 : i32 to vector<16xi32>
      %ge3A_771 = arith.cmpi sge, %get3A_618, %ge3A_770 : vector<16xi32>
      %and3A_772 = arith.andi %unique3A_656, %ge3A_771 : vector<16xi1>
      %add3A_773 = arith.constant 320 : i32
      %add3A_774 = arith.addi %min3A_3, %add3A_773 : i32
      %lt3A_775 = vector.broadcast %add3A_774 : i32 to vector<16xi32>
      %lt3A_776 = arith.cmpi slt, %get3A_618, %lt3A_775 : vector<16xi32>
      %and3A_777 = arith.andi %and3A_772, %lt3A_776 : vector<16xi1>
      %sub3A_778 = vector.broadcast %min3A_3 : i32 to vector<16xi32>
      %sub3A_779 = arith.subi %get3A_618, %sub3A_778 : vector<16xi32>
      %jit3A_780 = arith.constant 0 : i32
      %broadcast_in_dim3A_781 = vector.broadcast %jit3A_780 : i32 to vector<16xi32>
      %select_n3A_782 = arith.select %and3A_777, %sub3A_779, %broadcast_in_dim3A_781 : vector<16xi1>, vector<16xi32>
      %mul3A_783 = arith.constant 8 : i32
      %mul3A_784 = arith.muli %scan3A_570, %mul3A_783 : i32
      %add3A_785 = arith.constant 5 : i32
      %add3A_786 = arith.addi %mul3A_784, %add3A_785 : i32
      %mul3A_787 = arith.constant 16 : i32
      %mul3A_788 = arith.muli %add3A_786, %mul3A_787 : i32
      %add3A_789 = vector.broadcast %mul3A_788 : i32 to vector<16xi32>
      %add3A_790 = arith.addi %add3A_789, %iota3A : vector<16xi32>
      tpu.vector_store_idx %arg11[%select_n3A_782], %add3A_790 masked %and3A_777 : memref<320xi32, #tpu.memory_space<vmem>>[vector<16xi32>], vector<16xi32>, vector<16xi1>
      %ge3A_791 = vector.broadcast %min3A_3 : i32 to vector<16xi32>
      %ge3A_792 = arith.cmpi sge, %get3A_626, %ge3A_791 : vector<16xi32>
      %and3A_793 = arith.andi %unique3A_660, %ge3A_792 : vector<16xi1>
      %add3A_794 = arith.constant 320 : i32
      %add3A_795 = arith.addi %min3A_3, %add3A_794 : i32
      %lt3A_796 = vector.broadcast %add3A_795 : i32 to vector<16xi32>
      %lt3A_797 = arith.cmpi slt, %get3A_626, %lt3A_796 : vector<16xi32>
      %and3A_798 = arith.andi %and3A_793, %lt3A_797 : vector<16xi1>
      %sub3A_799 = vector.broadcast %min3A_3 : i32 to vector<16xi32>
      %sub3A_800 = arith.subi %get3A_626, %sub3A_799 : vector<16xi32>
      %jit3A_801 = arith.constant 0 : i32
      %broadcast_in_dim3A_802 = vector.broadcast %jit3A_801 : i32 to vector<16xi32>
      %select_n3A_803 = arith.select %and3A_798, %sub3A_800, %broadcast_in_dim3A_802 : vector<16xi1>, vector<16xi32>
      %mul3A_804 = arith.constant 8 : i32
      %mul3A_805 = arith.muli %scan3A_570, %mul3A_804 : i32
      %add3A_806 = arith.constant 6 : i32
      %add3A_807 = arith.addi %mul3A_805, %add3A_806 : i32
      %mul3A_808 = arith.constant 16 : i32
      %mul3A_809 = arith.muli %add3A_807, %mul3A_808 : i32
      %add3A_810 = vector.broadcast %mul3A_809 : i32 to vector<16xi32>
      %add3A_811 = arith.addi %add3A_810, %iota3A : vector<16xi32>
      tpu.vector_store_idx %arg11[%select_n3A_803], %add3A_811 masked %and3A_798 : memref<320xi32, #tpu.memory_space<vmem>>[vector<16xi32>], vector<16xi32>, vector<16xi1>
      %ge3A_812 = vector.broadcast %min3A_3 : i32 to vector<16xi32>
      %ge3A_813 = arith.cmpi sge, %get3A_634, %ge3A_812 : vector<16xi32>
      %and3A_814 = arith.andi %unique3A_664, %ge3A_813 : vector<16xi1>
      %add3A_815 = arith.constant 320 : i32
      %add3A_816 = arith.addi %min3A_3, %add3A_815 : i32
      %lt3A_817 = vector.broadcast %add3A_816 : i32 to vector<16xi32>
      %lt3A_818 = arith.cmpi slt, %get3A_634, %lt3A_817 : vector<16xi32>
      %and3A_819 = arith.andi %and3A_814, %lt3A_818 : vector<16xi1>
      %sub3A_820 = vector.broadcast %min3A_3 : i32 to vector<16xi32>
      %sub3A_821 = arith.subi %get3A_634, %sub3A_820 : vector<16xi32>
      %jit3A_822 = arith.constant 0 : i32
      %broadcast_in_dim3A_823 = vector.broadcast %jit3A_822 : i32 to vector<16xi32>
      %select_n3A_824 = arith.select %and3A_819, %sub3A_821, %broadcast_in_dim3A_823 : vector<16xi1>, vector<16xi32>
      %mul3A_825 = arith.constant 8 : i32
      %mul3A_826 = arith.muli %scan3A_570, %mul3A_825 : i32
      %add3A_827 = arith.constant 7 : i32
      %add3A_828 = arith.addi %mul3A_826, %add3A_827 : i32
      %mul3A_829 = arith.constant 16 : i32
      %mul3A_830 = arith.muli %add3A_828, %mul3A_829 : i32
      %add3A_831 = vector.broadcast %mul3A_830 : i32 to vector<16xi32>
      %add3A_832 = arith.addi %add3A_831, %iota3A : vector<16xi32>
      tpu.vector_store_idx %arg11[%select_n3A_824], %add3A_832 masked %and3A_819 : memref<320xi32, #tpu.memory_space<vmem>>[vector<16xi32>], vector<16xi32>, vector<16xi1>
    }
    %scan3A_110 = arith.constant 32 : i32
    %dma_wait3A_111 = arith.constant 4096 : i32
    %dma_wait3A_112 = tpu.memref_slice %arg9[%dma_wait3A_111] : memref<8192xi32, #tpu.memory_space<vmem>> -> memref<4096xi32, #tpu.memory_space<vmem>>
    %dma_wait3A_113 = arith.constant 4096 : i32
    %dma_wait3A_114 = tpu.memref_slice %arg4[%dma_wait3A_113] : memref<8192xi32, #tpu.memory_space<hbm>> -> memref<4096xi32, #tpu.memory_space<hbm>>
    %dma_wait3A_115 = arith.constant 4096 : i32
    %dma_wait3A_116 = tpu.memref_slice %arg9[%dma_wait3A_115] : memref<8192xi32, #tpu.memory_space<vmem>> -> memref<4096xi32, #tpu.memory_space<vmem>>
    %dma_wait3A_117 = arith.constant 4096 : i32
    %dma_wait3A_118 = tpu.memref_slice %arg4[%dma_wait3A_117] : memref<8192xi32, #tpu.memory_space<hbm>> -> memref<4096xi32, #tpu.memory_space<hbm>>
    tpu.wait_dma2 semaphore(%arg18 : memref<!tpu.dma_semaphore, #tpu.memory_space<semaphore_mem>>) src(%dma_wait3A_118 : memref<4096xi32, #tpu.memory_space<hbm>>) dst(%dma_wait3A_116 : memref<4096xi32, #tpu.memory_space<vmem>>)
    %scan3A_119 = arith.constant 0 : i32
    %scan3A_120 = arith.constant 32 : i32
    %scan3A_121 = arith.constant 32 : i32
    %scan3A_122 = arith.addi %scan3A_120, %scan3A_121 : i32
    %scan3A_123 = arith.constant 1 : i32
    scf.for %scan3A_570 = %scan3A_120 to %scan3A_122 step %scan3A_123  : i32 {
      %mul3A_571 = arith.constant 8 : i32
      %mul3A_572 = arith.muli %scan3A_570, %mul3A_571 : i32
      %add3A_573 = arith.constant 0 : i32
      %add3A_574 = arith.addi %mul3A_572, %add3A_573 : i32
      %mul3A_575 = arith.constant 16 : i32
      %mul3A_576 = arith.muli %add3A_574, %mul3A_575 : i32
      %get3A_577 = arith.index_cast %mul3A_576 : i32 to index
      %get3A_578 = tpu.vector_load %arg9[%get3A_577] {strides = array<i32>} : memref<8192xi32, #tpu.memory_space<vmem>>, vector<16xi32>,
      %mul3A_579 = arith.constant 8 : i32
      %mul3A_580 = arith.muli %scan3A_570, %mul3A_579 : i32
      %add3A_581 = arith.constant 1 : i32
      %add3A_582 = arith.addi %mul3A_580, %add3A_581 : i32
      %mul3A_583 = arith.constant 16 : i32
      %mul3A_584 = arith.muli %add3A_582, %mul3A_583 : i32
      %get3A_585 = arith.index_cast %mul3A_584 : i32 to index
      %get3A_586 = tpu.vector_load %arg9[%get3A_585] {strides = array<i32>} : memref<8192xi32, #tpu.memory_space<vmem>>, vector<16xi32>,
      %mul3A_587 = arith.constant 8 : i32
      %mul3A_588 = arith.muli %scan3A_570, %mul3A_587 : i32
      %add3A_589 = arith.constant 2 : i32
      %add3A_590 = arith.addi %mul3A_588, %add3A_589 : i32
      %mul3A_591 = arith.constant 16 : i32
      %mul3A_592 = arith.muli %add3A_590, %mul3A_591 : i32
      %get3A_593 = arith.index_cast %mul3A_592 : i32 to index
      %get3A_594 = tpu.vector_load %arg9[%get3A_593] {strides = array<i32>} : memref<8192xi32, #tpu.memory_space<vmem>>, vector<16xi32>,
      %mul3A_595 = arith.constant 8 : i32
      %mul3A_596 = arith.muli %scan3A_570, %mul3A_595 : i32
      %add3A_597 = arith.constant 3 : i32
      %add3A_598 = arith.addi %mul3A_596, %add3A_597 : i32
      %mul3A_599 = arith.constant 16 : i32
      %mul3A_600 = arith.muli %add3A_598, %mul3A_599 : i32
      %get3A_601 = arith.index_cast %mul3A_600 : i32 to index
      %get3A_602 = tpu.vector_load %arg9[%get3A_601] {strides = array<i32>} : memref<8192xi32, #tpu.memory_space<vmem>>, vector<16xi32>,
      %mul3A_603 = arith.constant 8 : i32
      %mul3A_604 = arith.muli %scan3A_570, %mul3A_603 : i32
      %add3A_605 = arith.constant 4 : i32
      %add3A_606 = arith.addi %mul3A_604, %add3A_605 : i32
      %mul3A_607 = arith.constant 16 : i32
      %mul3A_608 = arith.muli %add3A_606, %mul3A_607 : i32
      %get3A_609 = arith.index_cast %mul3A_608 : i32 to index
      %get3A_610 = tpu.vector_load %arg9[%get3A_609] {strides = array<i32>} : memref<8192xi32, #tpu.memory_space<vmem>>, vector<16xi32>,
      %mul3A_611 = arith.constant 8 : i32
      %mul3A_612 = arith.muli %scan3A_570, %mul3A_611 : i32
      %add3A_613 = arith.constant 5 : i32
      %add3A_614 = arith.addi %mul3A_612, %add3A_613 : i32
      %mul3A_615 = arith.constant 16 : i32
      %mul3A_616 = arith.muli %add3A_614, %mul3A_615 : i32
      %get3A_617 = arith.index_cast %mul3A_616 : i32 to index
      %get3A_618 = tpu.vector_load %arg9[%get3A_617] {strides = array<i32>} : memref<8192xi32, #tpu.memory_space<vmem>>, vector<16xi32>,
      %mul3A_619 = arith.constant 8 : i32
      %mul3A_620 = arith.muli %scan3A_570, %mul3A_619 : i32
      %add3A_621 = arith.constant 6 : i32
      %add3A_622 = arith.addi %mul3A_620, %add3A_621 : i32
      %mul3A_623 = arith.constant 16 : i32
      %mul3A_624 = arith.muli %add3A_622, %mul3A_623 : i32
      %get3A_625 = arith.index_cast %mul3A_624 : i32 to index
      %get3A_626 = tpu.vector_load %arg9[%get3A_625] {strides = array<i32>} : memref<8192xi32, #tpu.memory_space<vmem>>, vector<16xi32>,
      %mul3A_627 = arith.constant 8 : i32
      %mul3A_628 = arith.muli %scan3A_570, %mul3A_627 : i32
      %add3A_629 = arith.constant 7 : i32
      %add3A_630 = arith.addi %mul3A_628, %add3A_629 : i32
      %mul3A_631 = arith.constant 16 : i32
      %mul3A_632 = arith.muli %add3A_630, %mul3A_631 : i32
      %get3A_633 = arith.index_cast %mul3A_632 : i32 to index
      %get3A_634 = tpu.vector_load %arg9[%get3A_633] {strides = array<i32>} : memref<8192xi32, #tpu.memory_space<vmem>>, vector<16xi32>,
      %broadcast_in_dim3A_635 = arith.constant true
      %broadcast_in_dim3A_636 = vector.broadcast %broadcast_in_dim3A_635 : i1 to vector<16xi1>
      %unique3A, %unique3A_637 = tpu.scan_count mask(%broadcast_in_dim3A_636 : vector<16xi1>) value(%get3A_578 : vector<16xi32>) : vector<16xi1>, vector<16xi32>
      %broadcast_in_dim3A_638 = arith.constant true
      %broadcast_in_dim3A_639 = vector.broadcast %broadcast_in_dim3A_638 : i1 to vector<16xi1>
      %unique3A_640, %unique3A_641 = tpu.scan_count mask(%broadcast_in_dim3A_639 : vector<16xi1>) value(%get3A_586 : vector<16xi32>) : vector<16xi1>, vector<16xi32>
      %broadcast_in_dim3A_642 = arith.constant true
      %broadcast_in_dim3A_643 = vector.broadcast %broadcast_in_dim3A_642 : i1 to vector<16xi1>
      %unique3A_644, %unique3A_645 = tpu.scan_count mask(%broadcast_in_dim3A_643 : vector<16xi1>) value(%get3A_594 : vector<16xi32>) : vector<16xi1>, vector<16xi32>
      %broadcast_in_dim3A_646 = arith.constant true
      %broadcast_in_dim3A_647 = vector.broadcast %broadcast_in_dim3A_646 : i1 to vector<16xi1>
      %unique3A_648, %unique3A_649 = tpu.scan_count mask(%broadcast_in_dim3A_647 : vector<16xi1>) value(%get3A_602 : vector<16xi32>) : vector<16xi1>, vector<16xi32>
      %broadcast_in_dim3A_650 = arith.constant true
      %broadcast_in_dim3A_651 = vector.broadcast %broadcast_in_dim3A_650 : i1 to vector<16xi1>
      %unique3A_652, %unique3A_653 = tpu.scan_count mask(%broadcast_in_dim3A_651 : vector<16xi1>) value(%get3A_610 : vector<16xi32>) : vector<16xi1>, vector<16xi32>
      %broadcast_in_dim3A_654 = arith.constant true
      %broadcast_in_dim3A_655 = vector.broadcast %broadcast_in_dim3A_654 : i1 to vector<16xi1>
      %unique3A_656, %unique3A_657 = tpu.scan_count mask(%broadcast_in_dim3A_655 : vector<16xi1>) value(%get3A_618 : vector<16xi32>) : vector<16xi1>, vector<16xi32>
      %broadcast_in_dim3A_658 = arith.constant true
      %broadcast_in_dim3A_659 = vector.broadcast %broadcast_in_dim3A_658 : i1 to vector<16xi1>
      %unique3A_660, %unique3A_661 = tpu.scan_count mask(%broadcast_in_dim3A_659 : vector<16xi1>) value(%get3A_626 : vector<16xi32>) : vector<16xi1>, vector<16xi32>
      %broadcast_in_dim3A_662 = arith.constant true
      %broadcast_in_dim3A_663 = vector.broadcast %broadcast_in_dim3A_662 : i1 to vector<16xi1>
      %unique3A_664, %unique3A_665 = tpu.scan_count mask(%broadcast_in_dim3A_663 : vector<16xi1>) value(%get3A_634 : vector<16xi32>) : vector<16xi1>, vector<16xi32>
      %ge3A_666 = vector.broadcast %min3A_3 : i32 to vector<16xi32>
      %ge3A_667 = arith.cmpi sge, %get3A_578, %ge3A_666 : vector<16xi32>
      %and3A_668 = arith.andi %unique3A, %ge3A_667 : vector<16xi1>
      %add3A_669 = arith.constant 320 : i32
      %add3A_670 = arith.addi %min3A_3, %add3A_669 : i32
      %lt3A = vector.broadcast %add3A_670 : i32 to vector<16xi32>
      %lt3A_671 = arith.cmpi slt, %get3A_578, %lt3A : vector<16xi32>
      %and3A_672 = arith.andi %and3A_668, %lt3A_671 : vector<16xi1>
      %sub3A_673 = vector.broadcast %min3A_3 : i32 to vector<16xi32>
      %sub3A_674 = arith.subi %get3A_578, %sub3A_673 : vector<16xi32>
      %jit3A_675 = arith.constant 0 : i32
      %broadcast_in_dim3A_676 = vector.broadcast %jit3A_675 : i32 to vector<16xi32>
      %select_n3A_677 = arith.select %and3A_672, %sub3A_674, %broadcast_in_dim3A_676 : vector<16xi1>, vector<16xi32>
      %mul3A_678 = arith.constant 8 : i32
      %mul3A_679 = arith.muli %scan3A_570, %mul3A_678 : i32
      %add3A_680 = arith.constant 0 : i32
      %add3A_681 = arith.addi %mul3A_679, %add3A_680 : i32
      %mul3A_682 = arith.constant 16 : i32
      %mul3A_683 = arith.muli %add3A_681, %mul3A_682 : i32
      %add3A_684 = vector.broadcast %mul3A_683 : i32 to vector<16xi32>
      %add3A_685 = arith.addi %add3A_684, %iota3A : vector<16xi32>
      tpu.vector_store_idx %arg11[%select_n3A_677], %add3A_685 masked %and3A_672 : memref<320xi32, #tpu.memory_space<vmem>>[vector<16xi32>], vector<16xi32>, vector<16xi1>
      %ge3A_686 = vector.broadcast %min3A_3 : i32 to vector<16xi32>
      %ge3A_687 = arith.cmpi sge, %get3A_586, %ge3A_686 : vector<16xi32>
      %and3A_688 = arith.andi %unique3A_640, %ge3A_687 : vector<16xi1>
      %add3A_689 = arith.constant 320 : i32
      %add3A_690 = arith.addi %min3A_3, %add3A_689 : i32
      %lt3A_691 = vector.broadcast %add3A_690 : i32 to vector<16xi32>
      %lt3A_692 = arith.cmpi slt, %get3A_586, %lt3A_691 : vector<16xi32>
      %and3A_693 = arith.andi %and3A_688, %lt3A_692 : vector<16xi1>
      %sub3A_694 = vector.broadcast %min3A_3 : i32 to vector<16xi32>
      %sub3A_695 = arith.subi %get3A_586, %sub3A_694 : vector<16xi32>
      %jit3A_696 = arith.constant 0 : i32
      %broadcast_in_dim3A_697 = vector.broadcast %jit3A_696 : i32 to vector<16xi32>
      %select_n3A_698 = arith.select %and3A_693, %sub3A_695, %broadcast_in_dim3A_697 : vector<16xi1>, vector<16xi32>
      %mul3A_699 = arith.constant 8 : i32
      %mul3A_700 = arith.muli %scan3A_570, %mul3A_699 : i32
      %add3A_701 = arith.constant 1 : i32
      %add3A_702 = arith.addi %mul3A_700, %add3A_701 : i32
      %mul3A_703 = arith.constant 16 : i32
      %mul3A_704 = arith.muli %add3A_702, %mul3A_703 : i32
      %add3A_705 = vector.broadcast %mul3A_704 : i32 to vector<16xi32>
      %add3A_706 = arith.addi %add3A_705, %iota3A : vector<16xi32>
      tpu.vector_store_idx %arg11[%select_n3A_698], %add3A_706 masked %and3A_693 : memref<320xi32, #tpu.memory_space<vmem>>[vector<16xi32>], vector<16xi32>, vector<16xi1>
      %ge3A_707 = vector.broadcast %min3A_3 : i32 to vector<16xi32>
      %ge3A_708 = arith.cmpi sge, %get3A_594, %ge3A_707 : vector<16xi32>
      %and3A_709 = arith.andi %unique3A_644, %ge3A_708 : vector<16xi1>
      %add3A_710 = arith.constant 320 : i32
      %add3A_711 = arith.addi %min3A_3, %add3A_710 : i32
      %lt3A_712 = vector.broadcast %add3A_711 : i32 to vector<16xi32>
      %lt3A_713 = arith.cmpi slt, %get3A_594, %lt3A_712 : vector<16xi32>
      %and3A_714 = arith.andi %and3A_709, %lt3A_713 : vector<16xi1>
      %sub3A_715 = vector.broadcast %min3A_3 : i32 to vector<16xi32>
      %sub3A_716 = arith.subi %get3A_594, %sub3A_715 : vector<16xi32>
      %jit3A_717 = arith.constant 0 : i32
      %broadcast_in_dim3A_718 = vector.broadcast %jit3A_717 : i32 to vector<16xi32>
      %select_n3A_719 = arith.select %and3A_714, %sub3A_716, %broadcast_in_dim3A_718 : vector<16xi1>, vector<16xi32>
      %mul3A_720 = arith.constant 8 : i32
      %mul3A_721 = arith.muli %scan3A_570, %mul3A_720 : i32
      %add3A_722 = arith.constant 2 : i32
      %add3A_723 = arith.addi %mul3A_721, %add3A_722 : i32
      %mul3A_724 = arith.constant 16 : i32
      %mul3A_725 = arith.muli %add3A_723, %mul3A_724 : i32
      %add3A_726 = vector.broadcast %mul3A_725 : i32 to vector<16xi32>
      %add3A_727 = arith.addi %add3A_726, %iota3A : vector<16xi32>
      tpu.vector_store_idx %arg11[%select_n3A_719], %add3A_727 masked %and3A_714 : memref<320xi32, #tpu.memory_space<vmem>>[vector<16xi32>], vector<16xi32>, vector<16xi1>
      %ge3A_728 = vector.broadcast %min3A_3 : i32 to vector<16xi32>
      %ge3A_729 = arith.cmpi sge, %get3A_602, %ge3A_728 : vector<16xi32>
      %and3A_730 = arith.andi %unique3A_648, %ge3A_729 : vector<16xi1>
      %add3A_731 = arith.constant 320 : i32
      %add3A_732 = arith.addi %min3A_3, %add3A_731 : i32
      %lt3A_733 = vector.broadcast %add3A_732 : i32 to vector<16xi32>
      %lt3A_734 = arith.cmpi slt, %get3A_602, %lt3A_733 : vector<16xi32>
      %and3A_735 = arith.andi %and3A_730, %lt3A_734 : vector<16xi1>
      %sub3A_736 = vector.broadcast %min3A_3 : i32 to vector<16xi32>
      %sub3A_737 = arith.subi %get3A_602, %sub3A_736 : vector<16xi32>
      %jit3A_738 = arith.constant 0 : i32
      %broadcast_in_dim3A_739 = vector.broadcast %jit3A_738 : i32 to vector<16xi32>
      %select_n3A_740 = arith.select %and3A_735, %sub3A_737, %broadcast_in_dim3A_739 : vector<16xi1>, vector<16xi32>
      %mul3A_741 = arith.constant 8 : i32
      %mul3A_742 = arith.muli %scan3A_570, %mul3A_741 : i32
      %add3A_743 = arith.constant 3 : i32
      %add3A_744 = arith.addi %mul3A_742, %add3A_743 : i32
      %mul3A_745 = arith.constant 16 : i32
      %mul3A_746 = arith.muli %add3A_744, %mul3A_745 : i32
      %add3A_747 = vector.broadcast %mul3A_746 : i32 to vector<16xi32>
      %add3A_748 = arith.addi %add3A_747, %iota3A : vector<16xi32>
      tpu.vector_store_idx %arg11[%select_n3A_740], %add3A_748 masked %and3A_735 : memref<320xi32, #tpu.memory_space<vmem>>[vector<16xi32>], vector<16xi32>, vector<16xi1>
      %ge3A_749 = vector.broadcast %min3A_3 : i32 to vector<16xi32>
      %ge3A_750 = arith.cmpi sge, %get3A_610, %ge3A_749 : vector<16xi32>
      %and3A_751 = arith.andi %unique3A_652, %ge3A_750 : vector<16xi1>
      %add3A_752 = arith.constant 320 : i32
      %add3A_753 = arith.addi %min3A_3, %add3A_752 : i32
      %lt3A_754 = vector.broadcast %add3A_753 : i32 to vector<16xi32>
      %lt3A_755 = arith.cmpi slt, %get3A_610, %lt3A_754 : vector<16xi32>
      %and3A_756 = arith.andi %and3A_751, %lt3A_755 : vector<16xi1>
      %sub3A_757 = vector.broadcast %min3A_3 : i32 to vector<16xi32>
      %sub3A_758 = arith.subi %get3A_610, %sub3A_757 : vector<16xi32>
      %jit3A_759 = arith.constant 0 : i32
      %broadcast_in_dim3A_760 = vector.broadcast %jit3A_759 : i32 to vector<16xi32>
      %select_n3A_761 = arith.select %and3A_756, %sub3A_758, %broadcast_in_dim3A_760 : vector<16xi1>, vector<16xi32>
      %mul3A_762 = arith.constant 8 : i32
      %mul3A_763 = arith.muli %scan3A_570, %mul3A_762 : i32
      %add3A_764 = arith.constant 4 : i32
      %add3A_765 = arith.addi %mul3A_763, %add3A_764 : i32
      %mul3A_766 = arith.constant 16 : i32
      %mul3A_767 = arith.muli %add3A_765, %mul3A_766 : i32
      %add3A_768 = vector.broadcast %mul3A_767 : i32 to vector<16xi32>
      %add3A_769 = arith.addi %add3A_768, %iota3A : vector<16xi32>
      tpu.vector_store_idx %arg11[%select_n3A_761], %add3A_769 masked %and3A_756 : memref<320xi32, #tpu.memory_space<vmem>>[vector<16xi32>], vector<16xi32>, vector<16xi1>
      %ge3A_770 = vector.broadcast %min3A_3 : i32 to vector<16xi32>
      %ge3A_771 = arith.cmpi sge, %get3A_618, %ge3A_770 : vector<16xi32>
      %and3A_772 = arith.andi %unique3A_656, %ge3A_771 : vector<16xi1>
      %add3A_773 = arith.constant 320 : i32
      %add3A_774 = arith.addi %min3A_3, %add3A_773 : i32
      %lt3A_775 = vector.broadcast %add3A_774 : i32 to vector<16xi32>
      %lt3A_776 = arith.cmpi slt, %get3A_618, %lt3A_775 : vector<16xi32>
      %and3A_777 = arith.andi %and3A_772, %lt3A_776 : vector<16xi1>
      %sub3A_778 = vector.broadcast %min3A_3 : i32 to vector<16xi32>
      %sub3A_779 = arith.subi %get3A_618, %sub3A_778 : vector<16xi32>
      %jit3A_780 = arith.constant 0 : i32
      %broadcast_in_dim3A_781 = vector.broadcast %jit3A_780 : i32 to vector<16xi32>
      %select_n3A_782 = arith.select %and3A_777, %sub3A_779, %broadcast_in_dim3A_781 : vector<16xi1>, vector<16xi32>
      %mul3A_783 = arith.constant 8 : i32
      %mul3A_784 = arith.muli %scan3A_570, %mul3A_783 : i32
      %add3A_785 = arith.constant 5 : i32
      %add3A_786 = arith.addi %mul3A_784, %add3A_785 : i32
      %mul3A_787 = arith.constant 16 : i32
      %mul3A_788 = arith.muli %add3A_786, %mul3A_787 : i32
      %add3A_789 = vector.broadcast %mul3A_788 : i32 to vector<16xi32>
      %add3A_790 = arith.addi %add3A_789, %iota3A : vector<16xi32>
      tpu.vector_store_idx %arg11[%select_n3A_782], %add3A_790 masked %and3A_777 : memref<320xi32, #tpu.memory_space<vmem>>[vector<16xi32>], vector<16xi32>, vector<16xi1>
      %ge3A_791 = vector.broadcast %min3A_3 : i32 to vector<16xi32>
      %ge3A_792 = arith.cmpi sge, %get3A_626, %ge3A_791 : vector<16xi32>
      %and3A_793 = arith.andi %unique3A_660, %ge3A_792 : vector<16xi1>
      %add3A_794 = arith.constant 320 : i32
      %add3A_795 = arith.addi %min3A_3, %add3A_794 : i32
      %lt3A_796 = vector.broadcast %add3A_795 : i32 to vector<16xi32>
      %lt3A_797 = arith.cmpi slt, %get3A_626, %lt3A_796 : vector<16xi32>
      %and3A_798 = arith.andi %and3A_793, %lt3A_797 : vector<16xi1>
      %sub3A_799 = vector.broadcast %min3A_3 : i32 to vector<16xi32>
      %sub3A_800 = arith.subi %get3A_626, %sub3A_799 : vector<16xi32>
      %jit3A_801 = arith.constant 0 : i32
      %broadcast_in_dim3A_802 = vector.broadcast %jit3A_801 : i32 to vector<16xi32>
      %select_n3A_803 = arith.select %and3A_798, %sub3A_800, %broadcast_in_dim3A_802 : vector<16xi1>, vector<16xi32>
      %mul3A_804 = arith.constant 8 : i32
      %mul3A_805 = arith.muli %scan3A_570, %mul3A_804 : i32
      %add3A_806 = arith.constant 6 : i32
      %add3A_807 = arith.addi %mul3A_805, %add3A_806 : i32
      %mul3A_808 = arith.constant 16 : i32
      %mul3A_809 = arith.muli %add3A_807, %mul3A_808 : i32
      %add3A_810 = vector.broadcast %mul3A_809 : i32 to vector<16xi32>
      %add3A_811 = arith.addi %add3A_810, %iota3A : vector<16xi32>
      tpu.vector_store_idx %arg11[%select_n3A_803], %add3A_811 masked %and3A_798 : memref<320xi32, #tpu.memory_space<vmem>>[vector<16xi32>], vector<16xi32>, vector<16xi1>
      %ge3A_812 = vector.broadcast %min3A_3 : i32 to vector<16xi32>
      %ge3A_813 = arith.cmpi sge, %get3A_634, %ge3A_812 : vector<16xi32>
      %and3A_814 = arith.andi %unique3A_664, %ge3A_813 : vector<16xi1>
      %add3A_815 = arith.constant 320 : i32
      %add3A_816 = arith.addi %min3A_3, %add3A_815 : i32
      %lt3A_817 = vector.broadcast %add3A_816 : i32 to vector<16xi32>
      %lt3A_818 = arith.cmpi slt, %get3A_634, %lt3A_817 : vector<16xi32>
      %and3A_819 = arith.andi %and3A_814, %lt3A_818 : vector<16xi1>
      %sub3A_820 = vector.broadcast %min3A_3 : i32 to vector<16xi32>
      %sub3A_821 = arith.subi %get3A_634, %sub3A_820 : vector<16xi32>
      %jit3A_822 = arith.constant 0 : i32
      %broadcast_in_dim3A_823 = vector.broadcast %jit3A_822 : i32 to vector<16xi32>
      %select_n3A_824 = arith.select %and3A_819, %sub3A_821, %broadcast_in_dim3A_823 : vector<16xi1>, vector<16xi32>
      %mul3A_825 = arith.constant 8 : i32
      %mul3A_826 = arith.muli %scan3A_570, %mul3A_825 : i32
      %add3A_827 = arith.constant 7 : i32
      %add3A_828 = arith.addi %mul3A_826, %add3A_827 : i32
      %mul3A_829 = arith.constant 16 : i32
      %mul3A_830 = arith.muli %add3A_828, %mul3A_829 : i32
      %add3A_831 = vector.broadcast %mul3A_830 : i32 to vector<16xi32>
      %add3A_832 = arith.addi %add3A_831, %iota3A : vector<16xi32>
      tpu.vector_store_idx %arg11[%select_n3A_824], %add3A_832 masked %and3A_819 : memref<320xi32, #tpu.memory_space<vmem>>[vector<16xi32>], vector<16xi32>, vector<16xi1>
    }
    %scan3A_124 = arith.constant 32 : i32
    tpu.wait_dma2 semaphore(%arg19 : memref<!tpu.dma_semaphore, #tpu.memory_space<semaphore_mem>>) src(%arg6 : memref<8192xi32, #tpu.memory_space<hbm>>) dst(%arg10 : memref<8192xi32, #tpu.memory_space<vmem>>)
    %dma_wait3A_125 = tpu.memref_slice %arg3[%min3A_3] : memref<10000xi32, #tpu.memory_space<hbm>> -> memref<320xi32, #tpu.memory_space<hbm>>
    %dma_wait3A_126 = tpu.memref_slice %arg3[%min3A_3] : memref<10000xi32, #tpu.memory_space<hbm>> -> memref<320xi32, #tpu.memory_space<hbm>>
    tpu.wait_dma2 semaphore(%arg19 : memref<!tpu.dma_semaphore, #tpu.memory_space<semaphore_mem>>) src(%dma_wait3A_126 : memref<320xi32, #tpu.memory_space<hbm>>) dst(%arg15 : memref<320xi32, #tpu.memory_space<vmem>>)
    %get3A = arith.constant 0 : index
    %get3A_127 = tpu.vector_load %arg11[%get3A] {strides = array<i32>} : memref<320xi32, #tpu.memory_space<vmem>>, vector<16xi32>,
    %ge3A = arith.constant 0 : i32
    %ge3A_128 = vector.broadcast %ge3A : i32 to vector<16xi32>
    %ge3A_129 = arith.cmpi sge, %get3A_127, %ge3A_128 : vector<16xi32>
    %jit3A = arith.constant 0 : i32
    %broadcast_in_dim3A_130 = vector.broadcast %jit3A : i32 to vector<16xi32>
    %select_n3A = arith.select %ge3A_129, %get3A_127, %broadcast_in_dim3A_130 : vector<16xi1>, vector<16xi32>
    %gather3A = tpu.vector_load_idx %arg10[%select_n3A] masked %ge3A_129 : memref<8192xi32, #tpu.memory_space<vmem>>[vector<16xi32>], vector<16xi32>, vector<16xi1>
    %get3A_131 = arith.constant 0 : index
    %get3A_132 = tpu.vector_load %arg15[%get3A_131] {strides = array<i32>} : memref<320xi32, #tpu.memory_space<vmem>>, vector<16xi32>,
    %select_n3A_133 = arith.select %ge3A_129, %gather3A, %get3A_132 : vector<16xi1>, vector<16xi32>
    %swap3A_134 = arith.constant 0 : index
    %swap3A_135 = tpu.vector_load %arg15[%swap3A_134] {strides = array<i32>} : memref<320xi32, #tpu.memory_space<vmem>>, vector<16xi32>,
    tpu.vector_store %arg15[%swap3A_134], %select_n3A_133 {strides = array<i32>} : memref<320xi32, #tpu.memory_space<vmem>>, vector<16xi32>,
    %get3A_136 = arith.constant 16 : index
    %get3A_137 = tpu.vector_load %arg11[%get3A_136] {strides = array<i32>} : memref<320xi32, #tpu.memory_space<vmem>>, vector<16xi32>,
    %ge3A_138 = arith.constant 0 : i32
    %ge3A_139 = vector.broadcast %ge3A_138 : i32 to vector<16xi32>
    %ge3A_140 = arith.cmpi sge, %get3A_137, %ge3A_139 : vector<16xi32>
    %jit3A_141 = arith.constant 0 : i32
    %broadcast_in_dim3A_142 = vector.broadcast %jit3A_141 : i32 to vector<16xi32>
    %select_n3A_143 = arith.select %ge3A_140, %get3A_137, %broadcast_in_dim3A_142 : vector<16xi1>, vector<16xi32>
    %gather3A_144 = tpu.vector_load_idx %arg10[%select_n3A_143] masked %ge3A_140 : memref<8192xi32, #tpu.memory_space<vmem>>[vector<16xi32>], vector<16xi32>, vector<16xi1>
    %get3A_145 = arith.constant 16 : index
    %get3A_146 = tpu.vector_load %arg15[%get3A_145] {strides = array<i32>} : memref<320xi32, #tpu.memory_space<vmem>>, vector<16xi32>,
    %select_n3A_147 = arith.select %ge3A_140, %gather3A_144, %get3A_146 : vector<16xi1>, vector<16xi32>
    %swap3A_148 = arith.constant 16 : index
    %swap3A_149 = tpu.vector_load %arg15[%swap3A_148] {strides = array<i32>} : memref<320xi32, #tpu.memory_space<vmem>>, vector<16xi32>,
    tpu.vector_store %arg15[%swap3A_148], %select_n3A_147 {strides = array<i32>} : memref<320xi32, #tpu.memory_space<vmem>>, vector<16xi32>,
    %get3A_150 = arith.constant 32 : index
    %get3A_151 = tpu.vector_load %arg11[%get3A_150] {strides = array<i32>} : memref<320xi32, #tpu.memory_space<vmem>>, vector<16xi32>,
    %ge3A_152 = arith.constant 0 : i32
    %ge3A_153 = vector.broadcast %ge3A_152 : i32 to vector<16xi32>
    %ge3A_154 = arith.cmpi sge, %get3A_151, %ge3A_153 : vector<16xi32>
    %jit3A_155 = arith.constant 0 : i32
    %broadcast_in_dim3A_156 = vector.broadcast %jit3A_155 : i32 to vector<16xi32>
    %select_n3A_157 = arith.select %ge3A_154, %get3A_151, %broadcast_in_dim3A_156 : vector<16xi1>, vector<16xi32>
    %gather3A_158 = tpu.vector_load_idx %arg10[%select_n3A_157] masked %ge3A_154 : memref<8192xi32, #tpu.memory_space<vmem>>[vector<16xi32>], vector<16xi32>, vector<16xi1>
    %get3A_159 = arith.constant 32 : index
    %get3A_160 = tpu.vector_load %arg15[%get3A_159] {strides = array<i32>} : memref<320xi32, #tpu.memory_space<vmem>>, vector<16xi32>,
    %select_n3A_161 = arith.select %ge3A_154, %gather3A_158, %get3A_160 : vector<16xi1>, vector<16xi32>
    %swap3A_162 = arith.constant 32 : index
    %swap3A_163 = tpu.vector_load %arg15[%swap3A_162] {strides = array<i32>} : memref<320xi32, #tpu.memory_space<vmem>>, vector<16xi32>,
    tpu.vector_store %arg15[%swap3A_162], %select_n3A_161 {strides = array<i32>} : memref<320xi32, #tpu.memory_space<vmem>>, vector<16xi32>,
    %get3A_164 = arith.constant 48 : index
    %get3A_165 = tpu.vector_load %arg11[%get3A_164] {strides = array<i32>} : memref<320xi32, #tpu.memory_space<vmem>>, vector<16xi32>,
    %ge3A_166 = arith.constant 0 : i32
    %ge3A_167 = vector.broadcast %ge3A_166 : i32 to vector<16xi32>
    %ge3A_168 = arith.cmpi sge, %get3A_165, %ge3A_167 : vector<16xi32>
    %jit3A_169 = arith.constant 0 : i32
    %broadcast_in_dim3A_170 = vector.broadcast %jit3A_169 : i32 to vector<16xi32>
    %select_n3A_171 = arith.select %ge3A_168, %get3A_165, %broadcast_in_dim3A_170 : vector<16xi1>, vector<16xi32>
    %gather3A_172 = tpu.vector_load_idx %arg10[%select_n3A_171] masked %ge3A_168 : memref<8192xi32, #tpu.memory_space<vmem>>[vector<16xi32>], vector<16xi32>, vector<16xi1>
    %get3A_173 = arith.constant 48 : index
    %get3A_174 = tpu.vector_load %arg15[%get3A_173] {strides = array<i32>} : memref<320xi32, #tpu.memory_space<vmem>>, vector<16xi32>,
    %select_n3A_175 = arith.select %ge3A_168, %gather3A_172, %get3A_174 : vector<16xi1>, vector<16xi32>
    %swap3A_176 = arith.constant 48 : index
    %swap3A_177 = tpu.vector_load %arg15[%swap3A_176] {strides = array<i32>} : memref<320xi32, #tpu.memory_space<vmem>>, vector<16xi32>,
    tpu.vector_store %arg15[%swap3A_176], %select_n3A_175 {strides = array<i32>} : memref<320xi32, #tpu.memory_space<vmem>>, vector<16xi32>,
    %get3A_178 = arith.constant 64 : index
    %get3A_179 = tpu.vector_load %arg11[%get3A_178] {strides = array<i32>} : memref<320xi32, #tpu.memory_space<vmem>>, vector<16xi32>,
    %ge3A_180 = arith.constant 0 : i32
    %ge3A_181 = vector.broadcast %ge3A_180 : i32 to vector<16xi32>
    %ge3A_182 = arith.cmpi sge, %get3A_179, %ge3A_181 : vector<16xi32>
    %jit3A_183 = arith.constant 0 : i32
    %broadcast_in_dim3A_184 = vector.broadcast %jit3A_183 : i32 to vector<16xi32>
    %select_n3A_185 = arith.select %ge3A_182, %get3A_179, %broadcast_in_dim3A_184 : vector<16xi1>, vector<16xi32>
    %gather3A_186 = tpu.vector_load_idx %arg10[%select_n3A_185] masked %ge3A_182 : memref<8192xi32, #tpu.memory_space<vmem>>[vector<16xi32>], vector<16xi32>, vector<16xi1>
    %get3A_187 = arith.constant 64 : index
    %get3A_188 = tpu.vector_load %arg15[%get3A_187] {strides = array<i32>} : memref<320xi32, #tpu.memory_space<vmem>>, vector<16xi32>,
    %select_n3A_189 = arith.select %ge3A_182, %gather3A_186, %get3A_188 : vector<16xi1>, vector<16xi32>
    %swap3A_190 = arith.constant 64 : index
    %swap3A_191 = tpu.vector_load %arg15[%swap3A_190] {strides = array<i32>} : memref<320xi32, #tpu.memory_space<vmem>>, vector<16xi32>,
    tpu.vector_store %arg15[%swap3A_190], %select_n3A_189 {strides = array<i32>} : memref<320xi32, #tpu.memory_space<vmem>>, vector<16xi32>,
    %get3A_192 = arith.constant 80 : index
    %get3A_193 = tpu.vector_load %arg11[%get3A_192] {strides = array<i32>} : memref<320xi32, #tpu.memory_space<vmem>>, vector<16xi32>,
    %ge3A_194 = arith.constant 0 : i32
    %ge3A_195 = vector.broadcast %ge3A_194 : i32 to vector<16xi32>
    %ge3A_196 = arith.cmpi sge, %get3A_193, %ge3A_195 : vector<16xi32>
    %jit3A_197 = arith.constant 0 : i32
    %broadcast_in_dim3A_198 = vector.broadcast %jit3A_197 : i32 to vector<16xi32>
    %select_n3A_199 = arith.select %ge3A_196, %get3A_193, %broadcast_in_dim3A_198 : vector<16xi1>, vector<16xi32>
    %gather3A_200 = tpu.vector_load_idx %arg10[%select_n3A_199] masked %ge3A_196 : memref<8192xi32, #tpu.memory_space<vmem>>[vector<16xi32>], vector<16xi32>, vector<16xi1>
    %get3A_201 = arith.constant 80 : index
    %get3A_202 = tpu.vector_load %arg15[%get3A_201] {strides = array<i32>} : memref<320xi32, #tpu.memory_space<vmem>>, vector<16xi32>,
    %select_n3A_203 = arith.select %ge3A_196, %gather3A_200, %get3A_202 : vector<16xi1>, vector<16xi32>
    %swap3A_204 = arith.constant 80 : index
    %swap3A_205 = tpu.vector_load %arg15[%swap3A_204] {strides = array<i32>} : memref<320xi32, #tpu.memory_space<vmem>>, vector<16xi32>,
    tpu.vector_store %arg15[%swap3A_204], %select_n3A_203 {strides = array<i32>} : memref<320xi32, #tpu.memory_space<vmem>>, vector<16xi32>,
    %get3A_206 = arith.constant 96 : index
    %get3A_207 = tpu.vector_load %arg11[%get3A_206] {strides = array<i32>} : memref<320xi32, #tpu.memory_space<vmem>>, vector<16xi32>,
    %ge3A_208 = arith.constant 0 : i32
    %ge3A_209 = vector.broadcast %ge3A_208 : i32 to vector<16xi32>
    %ge3A_210 = arith.cmpi sge, %get3A_207, %ge3A_209 : vector<16xi32>
    %jit3A_211 = arith.constant 0 : i32
    %broadcast_in_dim3A_212 = vector.broadcast %jit3A_211 : i32 to vector<16xi32>
    %select_n3A_213 = arith.select %ge3A_210, %get3A_207, %broadcast_in_dim3A_212 : vector<16xi1>, vector<16xi32>
    %gather3A_214 = tpu.vector_load_idx %arg10[%select_n3A_213] masked %ge3A_210 : memref<8192xi32, #tpu.memory_space<vmem>>[vector<16xi32>], vector<16xi32>, vector<16xi1>
    %get3A_215 = arith.constant 96 : index
    %get3A_216 = tpu.vector_load %arg15[%get3A_215] {strides = array<i32>} : memref<320xi32, #tpu.memory_space<vmem>>, vector<16xi32>,
    %select_n3A_217 = arith.select %ge3A_210, %gather3A_214, %get3A_216 : vector<16xi1>, vector<16xi32>
    %swap3A_218 = arith.constant 96 : index
    %swap3A_219 = tpu.vector_load %arg15[%swap3A_218] {strides = array<i32>} : memref<320xi32, #tpu.memory_space<vmem>>, vector<16xi32>,
    tpu.vector_store %arg15[%swap3A_218], %select_n3A_217 {strides = array<i32>} : memref<320xi32, #tpu.memory_space<vmem>>, vector<16xi32>,
    %get3A_220 = arith.constant 112 : index
    %get3A_221 = tpu.vector_load %arg11[%get3A_220] {strides = array<i32>} : memref<320xi32, #tpu.memory_space<vmem>>, vector<16xi32>,
    %ge3A_222 = arith.constant 0 : i32
    %ge3A_223 = vector.broadcast %ge3A_222 : i32 to vector<16xi32>
    %ge3A_224 = arith.cmpi sge, %get3A_221, %ge3A_223 : vector<16xi32>
    %jit3A_225 = arith.constant 0 : i32
    %broadcast_in_dim3A_226 = vector.broadcast %jit3A_225 : i32 to vector<16xi32>
    %select_n3A_227 = arith.select %ge3A_224, %get3A_221, %broadcast_in_dim3A_226 : vector<16xi1>, vector<16xi32>
    %gather3A_228 = tpu.vector_load_idx %arg10[%select_n3A_227] masked %ge3A_224 : memref<8192xi32, #tpu.memory_space<vmem>>[vector<16xi32>], vector<16xi32>, vector<16xi1>
    %get3A_229 = arith.constant 112 : index
    %get3A_230 = tpu.vector_load %arg15[%get3A_229] {strides = array<i32>} : memref<320xi32, #tpu.memory_space<vmem>>, vector<16xi32>,
    %select_n3A_231 = arith.select %ge3A_224, %gather3A_228, %get3A_230 : vector<16xi1>, vector<16xi32>
    %swap3A_232 = arith.constant 112 : index
    %swap3A_233 = tpu.vector_load %arg15[%swap3A_232] {strides = array<i32>} : memref<320xi32, #tpu.memory_space<vmem>>, vector<16xi32>,
    tpu.vector_store %arg15[%swap3A_232], %select_n3A_231 {strides = array<i32>} : memref<320xi32, #tpu.memory_space<vmem>>, vector<16xi32>,
    %get3A_234 = arith.constant 128 : index
    %get3A_235 = tpu.vector_load %arg11[%get3A_234] {strides = array<i32>} : memref<320xi32, #tpu.memory_space<vmem>>, vector<16xi32>,
    %ge3A_236 = arith.constant 0 : i32
    %ge3A_237 = vector.broadcast %ge3A_236 : i32 to vector<16xi32>
    %ge3A_238 = arith.cmpi sge, %get3A_235, %ge3A_237 : vector<16xi32>
    %jit3A_239 = arith.constant 0 : i32
    %broadcast_in_dim3A_240 = vector.broadcast %jit3A_239 : i32 to vector<16xi32>
    %select_n3A_241 = arith.select %ge3A_238, %get3A_235, %broadcast_in_dim3A_240 : vector<16xi1>, vector<16xi32>
    %gather3A_242 = tpu.vector_load_idx %arg10[%select_n3A_241] masked %ge3A_238 : memref<8192xi32, #tpu.memory_space<vmem>>[vector<16xi32>], vector<16xi32>, vector<16xi1>
    %get3A_243 = arith.constant 128 : index
    %get3A_244 = tpu.vector_load %arg15[%get3A_243] {strides = array<i32>} : memref<320xi32, #tpu.memory_space<vmem>>, vector<16xi32>,
    %select_n3A_245 = arith.select %ge3A_238, %gather3A_242, %get3A_244 : vector<16xi1>, vector<16xi32>
    %swap3A_246 = arith.constant 128 : index
    %swap3A_247 = tpu.vector_load %arg15[%swap3A_246] {strides = array<i32>} : memref<320xi32, #tpu.memory_space<vmem>>, vector<16xi32>,
    tpu.vector_store %arg15[%swap3A_246], %select_n3A_245 {strides = array<i32>} : memref<320xi32, #tpu.memory_space<vmem>>, vector<16xi32>,
    %get3A_248 = arith.constant 144 : index
    %get3A_249 = tpu.vector_load %arg11[%get3A_248] {strides = array<i32>} : memref<320xi32, #tpu.memory_space<vmem>>, vector<16xi32>,
    %ge3A_250 = arith.constant 0 : i32
    %ge3A_251 = vector.broadcast %ge3A_250 : i32 to vector<16xi32>
    %ge3A_252 = arith.cmpi sge, %get3A_249, %ge3A_251 : vector<16xi32>
    %jit3A_253 = arith.constant 0 : i32
    %broadcast_in_dim3A_254 = vector.broadcast %jit3A_253 : i32 to vector<16xi32>
    %select_n3A_255 = arith.select %ge3A_252, %get3A_249, %broadcast_in_dim3A_254 : vector<16xi1>, vector<16xi32>
    %gather3A_256 = tpu.vector_load_idx %arg10[%select_n3A_255] masked %ge3A_252 : memref<8192xi32, #tpu.memory_space<vmem>>[vector<16xi32>], vector<16xi32>, vector<16xi1>
    %get3A_257 = arith.constant 144 : index
    %get3A_258 = tpu.vector_load %arg15[%get3A_257] {strides = array<i32>} : memref<320xi32, #tpu.memory_space<vmem>>, vector<16xi32>,
    %select_n3A_259 = arith.select %ge3A_252, %gather3A_256, %get3A_258 : vector<16xi1>, vector<16xi32>
    %swap3A_260 = arith.constant 144 : index
    %swap3A_261 = tpu.vector_load %arg15[%swap3A_260] {strides = array<i32>} : memref<320xi32, #tpu.memory_space<vmem>>, vector<16xi32>,
    tpu.vector_store %arg15[%swap3A_260], %select_n3A_259 {strides = array<i32>} : memref<320xi32, #tpu.memory_space<vmem>>, vector<16xi32>,
    %get3A_262 = arith.constant 160 : index
    %get3A_263 = tpu.vector_load %arg11[%get3A_262] {strides = array<i32>} : memref<320xi32, #tpu.memory_space<vmem>>, vector<16xi32>,
    %ge3A_264 = arith.constant 0 : i32
    %ge3A_265 = vector.broadcast %ge3A_264 : i32 to vector<16xi32>
    %ge3A_266 = arith.cmpi sge, %get3A_263, %ge3A_265 : vector<16xi32>
    %jit3A_267 = arith.constant 0 : i32
    %broadcast_in_dim3A_268 = vector.broadcast %jit3A_267 : i32 to vector<16xi32>
    %select_n3A_269 = arith.select %ge3A_266, %get3A_263, %broadcast_in_dim3A_268 : vector<16xi1>, vector<16xi32>
    %gather3A_270 = tpu.vector_load_idx %arg10[%select_n3A_269] masked %ge3A_266 : memref<8192xi32, #tpu.memory_space<vmem>>[vector<16xi32>], vector<16xi32>, vector<16xi1>
    %get3A_271 = arith.constant 160 : index
    %get3A_272 = tpu.vector_load %arg15[%get3A_271] {strides = array<i32>} : memref<320xi32, #tpu.memory_space<vmem>>, vector<16xi32>,
    %select_n3A_273 = arith.select %ge3A_266, %gather3A_270, %get3A_272 : vector<16xi1>, vector<16xi32>
    %swap3A_274 = arith.constant 160 : index
    %swap3A_275 = tpu.vector_load %arg15[%swap3A_274] {strides = array<i32>} : memref<320xi32, #tpu.memory_space<vmem>>, vector<16xi32>,
    tpu.vector_store %arg15[%swap3A_274], %select_n3A_273 {strides = array<i32>} : memref<320xi32, #tpu.memory_space<vmem>>, vector<16xi32>,
    %get3A_276 = arith.constant 176 : index
    %get3A_277 = tpu.vector_load %arg11[%get3A_276] {strides = array<i32>} : memref<320xi32, #tpu.memory_space<vmem>>, vector<16xi32>,
    %ge3A_278 = arith.constant 0 : i32
    %ge3A_279 = vector.broadcast %ge3A_278 : i32 to vector<16xi32>
    %ge3A_280 = arith.cmpi sge, %get3A_277, %ge3A_279 : vector<16xi32>
    %jit3A_281 = arith.constant 0 : i32
    %broadcast_in_dim3A_282 = vector.broadcast %jit3A_281 : i32 to vector<16xi32>
    %select_n3A_283 = arith.select %ge3A_280, %get3A_277, %broadcast_in_dim3A_282 : vector<16xi1>, vector<16xi32>
    %gather3A_284 = tpu.vector_load_idx %arg10[%select_n3A_283] masked %ge3A_280 : memref<8192xi32, #tpu.memory_space<vmem>>[vector<16xi32>], vector<16xi32>, vector<16xi1>
    %get3A_285 = arith.constant 176 : index
    %get3A_286 = tpu.vector_load %arg15[%get3A_285] {strides = array<i32>} : memref<320xi32, #tpu.memory_space<vmem>>, vector<16xi32>,
    %select_n3A_287 = arith.select %ge3A_280, %gather3A_284, %get3A_286 : vector<16xi1>, vector<16xi32>
    %swap3A_288 = arith.constant 176 : index
    %swap3A_289 = tpu.vector_load %arg15[%swap3A_288] {strides = array<i32>} : memref<320xi32, #tpu.memory_space<vmem>>, vector<16xi32>,
    tpu.vector_store %arg15[%swap3A_288], %select_n3A_287 {strides = array<i32>} : memref<320xi32, #tpu.memory_space<vmem>>, vector<16xi32>,
    %get3A_290 = arith.constant 192 : index
    %get3A_291 = tpu.vector_load %arg11[%get3A_290] {strides = array<i32>} : memref<320xi32, #tpu.memory_space<vmem>>, vector<16xi32>,
    %ge3A_292 = arith.constant 0 : i32
    %ge3A_293 = vector.broadcast %ge3A_292 : i32 to vector<16xi32>
    %ge3A_294 = arith.cmpi sge, %get3A_291, %ge3A_293 : vector<16xi32>
    %jit3A_295 = arith.constant 0 : i32
    %broadcast_in_dim3A_296 = vector.broadcast %jit3A_295 : i32 to vector<16xi32>
    %select_n3A_297 = arith.select %ge3A_294, %get3A_291, %broadcast_in_dim3A_296 : vector<16xi1>, vector<16xi32>
    %gather3A_298 = tpu.vector_load_idx %arg10[%select_n3A_297] masked %ge3A_294 : memref<8192xi32, #tpu.memory_space<vmem>>[vector<16xi32>], vector<16xi32>, vector<16xi1>
    %get3A_299 = arith.constant 192 : index
    %get3A_300 = tpu.vector_load %arg15[%get3A_299] {strides = array<i32>} : memref<320xi32, #tpu.memory_space<vmem>>, vector<16xi32>,
    %select_n3A_301 = arith.select %ge3A_294, %gather3A_298, %get3A_300 : vector<16xi1>, vector<16xi32>
    %swap3A_302 = arith.constant 192 : index
    %swap3A_303 = tpu.vector_load %arg15[%swap3A_302] {strides = array<i32>} : memref<320xi32, #tpu.memory_space<vmem>>, vector<16xi32>,
    tpu.vector_store %arg15[%swap3A_302], %select_n3A_301 {strides = array<i32>} : memref<320xi32, #tpu.memory_space<vmem>>, vector<16xi32>,
    %get3A_304 = arith.constant 208 : index
    %get3A_305 = tpu.vector_load %arg11[%get3A_304] {strides = array<i32>} : memref<320xi32, #tpu.memory_space<vmem>>, vector<16xi32>,
    %ge3A_306 = arith.constant 0 : i32
    %ge3A_307 = vector.broadcast %ge3A_306 : i32 to vector<16xi32>
    %ge3A_308 = arith.cmpi sge, %get3A_305, %ge3A_307 : vector<16xi32>
    %jit3A_309 = arith.constant 0 : i32
    %broadcast_in_dim3A_310 = vector.broadcast %jit3A_309 : i32 to vector<16xi32>
    %select_n3A_311 = arith.select %ge3A_308, %get3A_305, %broadcast_in_dim3A_310 : vector<16xi1>, vector<16xi32>
    %gather3A_312 = tpu.vector_load_idx %arg10[%select_n3A_311] masked %ge3A_308 : memref<8192xi32, #tpu.memory_space<vmem>>[vector<16xi32>], vector<16xi32>, vector<16xi1>
    %get3A_313 = arith.constant 208 : index
    %get3A_314 = tpu.vector_load %arg15[%get3A_313] {strides = array<i32>} : memref<320xi32, #tpu.memory_space<vmem>>, vector<16xi32>,
    %select_n3A_315 = arith.select %ge3A_308, %gather3A_312, %get3A_314 : vector<16xi1>, vector<16xi32>
    %swap3A_316 = arith.constant 208 : index
    %swap3A_317 = tpu.vector_load %arg15[%swap3A_316] {strides = array<i32>} : memref<320xi32, #tpu.memory_space<vmem>>, vector<16xi32>,
    tpu.vector_store %arg15[%swap3A_316], %select_n3A_315 {strides = array<i32>} : memref<320xi32, #tpu.memory_space<vmem>>, vector<16xi32>,
    %get3A_318 = arith.constant 224 : index
    %get3A_319 = tpu.vector_load %arg11[%get3A_318] {strides = array<i32>} : memref<320xi32, #tpu.memory_space<vmem>>, vector<16xi32>,
    %ge3A_320 = arith.constant 0 : i32
    %ge3A_321 = vector.broadcast %ge3A_320 : i32 to vector<16xi32>
    %ge3A_322 = arith.cmpi sge, %get3A_319, %ge3A_321 : vector<16xi32>
    %jit3A_323 = arith.constant 0 : i32
    %broadcast_in_dim3A_324 = vector.broadcast %jit3A_323 : i32 to vector<16xi32>
    %select_n3A_325 = arith.select %ge3A_322, %get3A_319, %broadcast_in_dim3A_324 : vector<16xi1>, vector<16xi32>
    %gather3A_326 = tpu.vector_load_idx %arg10[%select_n3A_325] masked %ge3A_322 : memref<8192xi32, #tpu.memory_space<vmem>>[vector<16xi32>], vector<16xi32>, vector<16xi1>
    %get3A_327 = arith.constant 224 : index
    %get3A_328 = tpu.vector_load %arg15[%get3A_327] {strides = array<i32>} : memref<320xi32, #tpu.memory_space<vmem>>, vector<16xi32>,
    %select_n3A_329 = arith.select %ge3A_322, %gather3A_326, %get3A_328 : vector<16xi1>, vector<16xi32>
    %swap3A_330 = arith.constant 224 : index
    %swap3A_331 = tpu.vector_load %arg15[%swap3A_330] {strides = array<i32>} : memref<320xi32, #tpu.memory_space<vmem>>, vector<16xi32>,
    tpu.vector_store %arg15[%swap3A_330], %select_n3A_329 {strides = array<i32>} : memref<320xi32, #tpu.memory_space<vmem>>, vector<16xi32>,
    %get3A_332 = arith.constant 240 : index
    %get3A_333 = tpu.vector_load %arg11[%get3A_332] {strides = array<i32>} : memref<320xi32, #tpu.memory_space<vmem>>, vector<16xi32>,
    %ge3A_334 = arith.constant 0 : i32
    %ge3A_335 = vector.broadcast %ge3A_334 : i32 to vector<16xi32>
    %ge3A_336 = arith.cmpi sge, %get3A_333, %ge3A_335 : vector<16xi32>
    %jit3A_337 = arith.constant 0 : i32
    %broadcast_in_dim3A_338 = vector.broadcast %jit3A_337 : i32 to vector<16xi32>
    %select_n3A_339 = arith.select %ge3A_336, %get3A_333, %broadcast_in_dim3A_338 : vector<16xi1>, vector<16xi32>
    %gather3A_340 = tpu.vector_load_idx %arg10[%select_n3A_339] masked %ge3A_336 : memref<8192xi32, #tpu.memory_space<vmem>>[vector<16xi32>], vector<16xi32>, vector<16xi1>
    %get3A_341 = arith.constant 240 : index
    %get3A_342 = tpu.vector_load %arg15[%get3A_341] {strides = array<i32>} : memref<320xi32, #tpu.memory_space<vmem>>, vector<16xi32>,
    %select_n3A_343 = arith.select %ge3A_336, %gather3A_340, %get3A_342 : vector<16xi1>, vector<16xi32>
    %swap3A_344 = arith.constant 240 : index
    %swap3A_345 = tpu.vector_load %arg15[%swap3A_344] {strides = array<i32>} : memref<320xi32, #tpu.memory_space<vmem>>, vector<16xi32>,
    tpu.vector_store %arg15[%swap3A_344], %select_n3A_343 {strides = array<i32>} : memref<320xi32, #tpu.memory_space<vmem>>, vector<16xi32>,
    %get3A_346 = arith.constant 256 : index
    %get3A_347 = tpu.vector_load %arg11[%get3A_346] {strides = array<i32>} : memref<320xi32, #tpu.memory_space<vmem>>, vector<16xi32>,
    %ge3A_348 = arith.constant 0 : i32
    %ge3A_349 = vector.broadcast %ge3A_348 : i32 to vector<16xi32>
    %ge3A_350 = arith.cmpi sge, %get3A_347, %ge3A_349 : vector<16xi32>
    %jit3A_351 = arith.constant 0 : i32
    %broadcast_in_dim3A_352 = vector.broadcast %jit3A_351 : i32 to vector<16xi32>
    %select_n3A_353 = arith.select %ge3A_350, %get3A_347, %broadcast_in_dim3A_352 : vector<16xi1>, vector<16xi32>
    %gather3A_354 = tpu.vector_load_idx %arg10[%select_n3A_353] masked %ge3A_350 : memref<8192xi32, #tpu.memory_space<vmem>>[vector<16xi32>], vector<16xi32>, vector<16xi1>
    %get3A_355 = arith.constant 256 : index
    %get3A_356 = tpu.vector_load %arg15[%get3A_355] {strides = array<i32>} : memref<320xi32, #tpu.memory_space<vmem>>, vector<16xi32>,
    %select_n3A_357 = arith.select %ge3A_350, %gather3A_354, %get3A_356 : vector<16xi1>, vector<16xi32>
    %swap3A_358 = arith.constant 256 : index
    %swap3A_359 = tpu.vector_load %arg15[%swap3A_358] {strides = array<i32>} : memref<320xi32, #tpu.memory_space<vmem>>, vector<16xi32>,
    tpu.vector_store %arg15[%swap3A_358], %select_n3A_357 {strides = array<i32>} : memref<320xi32, #tpu.memory_space<vmem>>, vector<16xi32>,
    %get3A_360 = arith.constant 272 : index
    %get3A_361 = tpu.vector_load %arg11[%get3A_360] {strides = array<i32>} : memref<320xi32, #tpu.memory_space<vmem>>, vector<16xi32>,
    %ge3A_362 = arith.constant 0 : i32
    %ge3A_363 = vector.broadcast %ge3A_362 : i32 to vector<16xi32>
    %ge3A_364 = arith.cmpi sge, %get3A_361, %ge3A_363 : vector<16xi32>
    %jit3A_365 = arith.constant 0 : i32
    %broadcast_in_dim3A_366 = vector.broadcast %jit3A_365 : i32 to vector<16xi32>
    %select_n3A_367 = arith.select %ge3A_364, %get3A_361, %broadcast_in_dim3A_366 : vector<16xi1>, vector<16xi32>
    %gather3A_368 = tpu.vector_load_idx %arg10[%select_n3A_367] masked %ge3A_364 : memref<8192xi32, #tpu.memory_space<vmem>>[vector<16xi32>], vector<16xi32>, vector<16xi1>
    %get3A_369 = arith.constant 272 : index
    %get3A_370 = tpu.vector_load %arg15[%get3A_369] {strides = array<i32>} : memref<320xi32, #tpu.memory_space<vmem>>, vector<16xi32>,
    %select_n3A_371 = arith.select %ge3A_364, %gather3A_368, %get3A_370 : vector<16xi1>, vector<16xi32>
    %swap3A_372 = arith.constant 272 : index
    %swap3A_373 = tpu.vector_load %arg15[%swap3A_372] {strides = array<i32>} : memref<320xi32, #tpu.memory_space<vmem>>, vector<16xi32>,
    tpu.vector_store %arg15[%swap3A_372], %select_n3A_371 {strides = array<i32>} : memref<320xi32, #tpu.memory_space<vmem>>, vector<16xi32>,
    %get3A_374 = arith.constant 288 : index
    %get3A_375 = tpu.vector_load %arg11[%get3A_374] {strides = array<i32>} : memref<320xi32, #tpu.memory_space<vmem>>, vector<16xi32>,
    %ge3A_376 = arith.constant 0 : i32
    %ge3A_377 = vector.broadcast %ge3A_376 : i32 to vector<16xi32>
    %ge3A_378 = arith.cmpi sge, %get3A_375, %ge3A_377 : vector<16xi32>
    %jit3A_379 = arith.constant 0 : i32
    %broadcast_in_dim3A_380 = vector.broadcast %jit3A_379 : i32 to vector<16xi32>
    %select_n3A_381 = arith.select %ge3A_378, %get3A_375, %broadcast_in_dim3A_380 : vector<16xi1>, vector<16xi32>
    %gather3A_382 = tpu.vector_load_idx %arg10[%select_n3A_381] masked %ge3A_378 : memref<8192xi32, #tpu.memory_space<vmem>>[vector<16xi32>], vector<16xi32>, vector<16xi1>
    %get3A_383 = arith.constant 288 : index
    %get3A_384 = tpu.vector_load %arg15[%get3A_383] {strides = array<i32>} : memref<320xi32, #tpu.memory_space<vmem>>, vector<16xi32>,
    %select_n3A_385 = arith.select %ge3A_378, %gather3A_382, %get3A_384 : vector<16xi1>, vector<16xi32>
    %swap3A_386 = arith.constant 288 : index
    %swap3A_387 = tpu.vector_load %arg15[%swap3A_386] {strides = array<i32>} : memref<320xi32, #tpu.memory_space<vmem>>, vector<16xi32>,
    tpu.vector_store %arg15[%swap3A_386], %select_n3A_385 {strides = array<i32>} : memref<320xi32, #tpu.memory_space<vmem>>, vector<16xi32>,
    %get3A_388 = arith.constant 304 : index
    %get3A_389 = tpu.vector_load %arg11[%get3A_388] {strides = array<i32>} : memref<320xi32, #tpu.memory_space<vmem>>, vector<16xi32>,
    %ge3A_390 = arith.constant 0 : i32
    %ge3A_391 = vector.broadcast %ge3A_390 : i32 to vector<16xi32>
    %ge3A_392 = arith.cmpi sge, %get3A_389, %ge3A_391 : vector<16xi32>
    %jit3A_393 = arith.constant 0 : i32
    %broadcast_in_dim3A_394 = vector.broadcast %jit3A_393 : i32 to vector<16xi32>
    %select_n3A_395 = arith.select %ge3A_392, %get3A_389, %broadcast_in_dim3A_394 : vector<16xi1>, vector<16xi32>
    %gather3A_396 = tpu.vector_load_idx %arg10[%select_n3A_395] masked %ge3A_392 : memref<8192xi32, #tpu.memory_space<vmem>>[vector<16xi32>], vector<16xi32>, vector<16xi1>
    %get3A_397 = arith.constant 304 : index
    %get3A_398 = tpu.vector_load %arg15[%get3A_397] {strides = array<i32>} : memref<320xi32, #tpu.memory_space<vmem>>, vector<16xi32>,
    %select_n3A_399 = arith.select %ge3A_392, %gather3A_396, %get3A_398 : vector<16xi1>, vector<16xi32>
    %swap3A_400 = arith.constant 304 : index
    %swap3A_401 = tpu.vector_load %arg15[%swap3A_400] {strides = array<i32>} : memref<320xi32, #tpu.memory_space<vmem>>, vector<16xi32>,
    tpu.vector_store %arg15[%swap3A_400], %select_n3A_399 {strides = array<i32>} : memref<320xi32, #tpu.memory_space<vmem>>, vector<16xi32>,
    %dma_start3A_402 = tpu.memref_slice %arg8[%min3A_3] : memref<10000xi32, #tpu.memory_space<hbm>> -> memref<320xi32, #tpu.memory_space<hbm>>
    %dma_start3A_403 = tpu.memref_slice %arg8[%min3A_3] : memref<10000xi32, #tpu.memory_space<hbm>> -> memref<320xi32, #tpu.memory_space<hbm>>
    tpu.enqueue_dma source(%arg15 : memref<320xi32, #tpu.memory_space<vmem>>) target(%dma_start3A_403 : memref<320xi32, #tpu.memory_space<hbm>>) target_semaphore(%arg19 : memref<!tpu.dma_semaphore, #tpu.memory_space<semaphore_mem>>)
    %scan3A_404 = arith.constant 0 : i32
    %scan3A_405 = arith.constant 0 : i32
    %scan3A_406 = arith.constant 0 : i32
    %scan3A_407 = arith.constant 20 : i32
    %scan3A_408 = arith.addi %scan3A_406, %scan3A_407 : i32
    %scan3A_409 = arith.constant 1 : i32
    %scan3A_410:2 = scf.for %scan3A_570 = %scan3A_406 to %scan3A_408 step %scan3A_409 iter_args(%scan3A_571 = %scan3A_404, %scan3A_572 = %scan3A_405) -> (i32, i32)  : i32 {
      %mul3A_573 = arith.constant 16 : i32
      %mul3A_574 = arith.muli %scan3A_570, %mul3A_573 : i32
      %get3A_575 = arith.index_cast %mul3A_574 : i32 to index
      %get3A_576 = tpu.vector_load %arg11[%get3A_575] {strides = array<i32>} : memref<320xi32, #tpu.memory_space<vmem>>, vector<16xi32>,
      %mul3A_577 = arith.constant 16 : i32
      %mul3A_578 = arith.muli %scan3A_570, %mul3A_577 : i32
      %add3A_579 = arith.addi %min3A_3, %mul3A_578 : i32
      %add3A_580 = vector.broadcast %add3A_579 : i32 to vector<16xi32>
      %add3A_581 = arith.addi %add3A_580, %iota3A : vector<16xi32>
      %ge3A_582 = arith.constant 0 : i32
      %ge3A_583 = vector.broadcast %ge3A_582 : i32 to vector<16xi32>
      %ge3A_584 = arith.cmpi sge, %get3A_576, %ge3A_583 : vector<16xi32>
      %not3A = arith.constant dense<true> : vector<16xi1>
      %not3A_585 = arith.xori %ge3A_584, %not3A : vector<16xi1>
      %lt3A = arith.constant 10000 : i32
      %lt3A_586 = vector.broadcast %lt3A : i32 to vector<16xi32>
      %lt3A_587 = arith.cmpi slt, %add3A_581, %lt3A_586 : vector<16xi32>
      %and3A_588 = arith.andi %not3A_585, %lt3A_587 : vector<16xi1>
      %swap3A_589 = arith.index_cast %scan3A_571 : i32 to index
      %swap3A_590 = tpu.vector_load %arg12[%swap3A_589] masked %ge3A_584 {strides = array<i32>} : memref<336xi32, #tpu.memory_space<vmem>>, vector<16xi32>, vector<16xi1>
      tpu.vector_store %arg12[%swap3A_589], %add3A_581 masked %ge3A_584 {strides = array<i32>} : memref<336xi32, #tpu.memory_space<vmem>>, vector<16xi32>, vector<16xi1>
      %swap3A_591 = arith.index_cast %scan3A_571 : i32 to index
      %swap3A_592 = tpu.vector_load %arg13[%swap3A_591] masked %ge3A_584 {strides = array<i32>} : memref<336xi32, #tpu.memory_space<vmem>>, vector<16xi32>, vector<16xi1>
      tpu.vector_store %arg13[%swap3A_591], %get3A_576 masked %ge3A_584 {strides = array<i32>} : memref<336xi32, #tpu.memory_space<vmem>>, vector<16xi32>, vector<16xi1>
      %swap3A_593 = arith.index_cast %scan3A_572 : i32 to index
      %swap3A_594 = tpu.vector_load %arg14[%swap3A_593] masked %and3A_588 {strides = array<i32>} : memref<336xi32, #tpu.memory_space<vmem>>, vector<16xi32>, vector<16xi1>
      tpu.vector_store %arg14[%swap3A_593], %add3A_581 masked %and3A_588 {strides = array<i32>} : memref<336xi32, #tpu.memory_space<vmem>>, vector<16xi32>, vector<16xi1>
      %all_reduce_population_count3A = tpu.all_reduce %ge3A_584 {dim = 0 : i64, kind = #tpu.reduction_kind<sum>} : vector<16xi1> -> vector<16xi32>
      %all_reduce_population_count3A_595 = tpu.all_reduce %and3A_588 {dim = 0 : i64, kind = #tpu.reduction_kind<sum>} : vector<16xi1> -> vector<16xi32>
      %reduce_max3A = arith.constant true
      %reduce_max3A_596 = vector.broadcast %reduce_max3A : i1 to vector<16xi1>
      %reduce_max3A_597 = arith.constant -2147483648 : i32
      %reduce_max3A_598 = vector.broadcast %reduce_max3A_597 : i32 to vector<16xi32>
      %reduce_max3A_599 = arith.xori %all_reduce_population_count3A, %reduce_max3A_598 : vector<16xi32>
      %reduce_max3A_600 = tpu.scan <max>, %reduce_max3A_599 masked %reduce_max3A_596 : vector<16xi32>, vector<16xi1> -> vector<16xi32>
      %reduce_max3A_601 = arith.xori %reduce_max3A_600, %reduce_max3A_598 : vector<16xi32>
      %reduce_max3A_602 = vector.extract %reduce_max3A_601[15] : i32 from vector<16xi32>
      %add3A_603 = arith.addi %scan3A_571, %reduce_max3A_602 : i32
      %reduce_max3A_604 = arith.constant true
      %reduce_max3A_605 = vector.broadcast %reduce_max3A_604 : i1 to vector<16xi1>
      %reduce_max3A_606 = arith.constant -2147483648 : i32
      %reduce_max3A_607 = vector.broadcast %reduce_max3A_606 : i32 to vector<16xi32>
      %reduce_max3A_608 = arith.xori %all_reduce_population_count3A_595, %reduce_max3A_607 : vector<16xi32>
      %reduce_max3A_609 = tpu.scan <max>, %reduce_max3A_608 masked %reduce_max3A_605 : vector<16xi32>, vector<16xi1> -> vector<16xi32>
      %reduce_max3A_610 = arith.xori %reduce_max3A_609, %reduce_max3A_607 : vector<16xi32>
      %reduce_max3A_611 = vector.extract %reduce_max3A_610[15] : i32 from vector<16xi32>
      %add3A_612 = arith.addi %scan3A_572, %reduce_max3A_611 : i32
      scf.yield %add3A_603, %add3A_612 : i32, i32
    }
    %scan3A_411 = arith.constant 20 : i32
    %add3A_412 = arith.constant 16 : i32
    %add3A_413 = arith.addi %scan3A_410#0, %add3A_412 : i32
    %sub3A = arith.constant 1 : i32
    %sub3A_414 = arith.subi %add3A_413, %sub3A : i32
    %jit3A_415 = arith.constant 16 : i32
    %div3A = arith.divsi %sub3A_414, %jit3A_415 : i32
    %sign3A = arith.constant 0 : i32
    %sign3A_416 = arith.cmpi sgt, %sub3A_414, %sign3A : i32
    %sign3A_417 = arith.extui %sign3A_416 : i1 to i32
    %sign3A_418 = arith.constant 0 : i32
    %sign3A_419 = arith.cmpi slt, %sub3A_414, %sign3A_418 : i32
    %sign3A_420 = arith.extui %sign3A_419 : i1 to i32
    %sign3A_421 = arith.subi %sign3A_417, %sign3A_420 : i32
    %sign3A_422 = arith.constant 0 : i32
    %sign3A_423 = arith.cmpi sgt, %jit3A_415, %sign3A_422 : i32
    %sign3A_424 = arith.extui %sign3A_423 : i1 to i32
    %sign3A_425 = arith.constant 0 : i32
    %sign3A_426 = arith.cmpi slt, %jit3A_415, %sign3A_425 : i32
    %sign3A_427 = arith.extui %sign3A_426 : i1 to i32
    %sign3A_428 = arith.subi %sign3A_424, %sign3A_427 : i32
    %ne3A = arith.cmpi ne, %sign3A_421, %sign3A_428 : i32
    %rem3A = arith.remsi %sub3A_414, %jit3A_415 : i32
    %ne3A_429 = arith.constant 0 : i32
    %ne3A_430 = arith.cmpi ne, %rem3A, %ne3A_429 : i32
    %and3A = arith.andi %ne3A, %ne3A_430 : i1
    %sub3A_431 = arith.constant 1 : i32
    %sub3A_432 = arith.subi %div3A, %sub3A_431 : i32
    %select_n3A_433 = arith.select %and3A, %sub3A_432, %div3A : i32
    %add3A_434 = arith.constant 16 : i32
    %add3A_435 = arith.addi %scan3A_410#1, %add3A_434 : i32
    %sub3A_436 = arith.constant 1 : i32
    %sub3A_437 = arith.subi %add3A_435, %sub3A_436 : i32
    %jit3A_438 = arith.constant 16 : i32
    %div3A_439 = arith.divsi %sub3A_437, %jit3A_438 : i32
    %sign3A_440 = arith.constant 0 : i32
    %sign3A_441 = arith.cmpi sgt, %sub3A_437, %sign3A_440 : i32
    %sign3A_442 = arith.extui %sign3A_441 : i1 to i32
    %sign3A_443 = arith.constant 0 : i32
    %sign3A_444 = arith.cmpi slt, %sub3A_437, %sign3A_443 : i32
    %sign3A_445 = arith.extui %sign3A_444 : i1 to i32
    %sign3A_446 = arith.subi %sign3A_442, %sign3A_445 : i32
    %sign3A_447 = arith.constant 0 : i32
    %sign3A_448 = arith.cmpi sgt, %jit3A_438, %sign3A_447 : i32
    %sign3A_449 = arith.extui %sign3A_448 : i1 to i32
    %sign3A_450 = arith.constant 0 : i32
    %sign3A_451 = arith.cmpi slt, %jit3A_438, %sign3A_450 : i32
    %sign3A_452 = arith.extui %sign3A_451 : i1 to i32
    %sign3A_453 = arith.subi %sign3A_449, %sign3A_452 : i32
    %ne3A_454 = arith.cmpi ne, %sign3A_446, %sign3A_453 : i32
    %rem3A_455 = arith.remsi %sub3A_437, %jit3A_438 : i32
    %ne3A_456 = arith.constant 0 : i32
    %ne3A_457 = arith.cmpi ne, %rem3A_455, %ne3A_456 : i32
    %and3A_458 = arith.andi %ne3A_454, %ne3A_457 : i1
    %sub3A_459 = arith.constant 1 : i32
    %sub3A_460 = arith.subi %div3A_439, %sub3A_459 : i32
    %select_n3A_461 = arith.select %and3A_458, %sub3A_460, %div3A_439 : i32
    %sub3A_462 = arith.constant 1 : i32
    %sub3A_463 = arith.subi %select_n3A_433, %sub3A_462 : i32
    %max3A = arith.constant 0 : i32
    %max3A_464 = arith.maxsi %sub3A_463, %max3A : i32
    %while3A = arith.constant 0 : i32
    %while3A_465 = arith.subi %select_n3A_433, %max3A_464 : i32
    %while3A_466 = arith.addi %max3A_464, %while3A_465 : i32
    %while3A_467 = arith.constant 1 : i32
    %while3A_468 = arith.divsi %while3A_465, %while3A_467 : i32
    %while3A_469 = arith.muli %while3A_468, %while3A_467 : i32
    %while3A_470 = arith.addi %max3A_464, %while3A_469 : i32
    %while3A_471 = arith.constant 1 : i32
    scf.for %while3A_570 = %max3A_464 to %while3A_470 step %while3A_471  : i32 {
      %mul3A_571 = arith.constant 16 : i32
      %mul3A_572 = arith.muli %while3A_570, %mul3A_571 : i32
      %get3A_573 = arith.index_cast %mul3A_572 : i32 to index
      %get3A_574 = tpu.vector_load %arg13[%get3A_573] {strides = array<i32>} : memref<336xi32, #tpu.memory_space<vmem>>, vector<16xi32>,
      %mul3A_575 = arith.constant 16 : i32
      %mul3A_576 = arith.muli %while3A_570, %mul3A_575 : i32
      %get3A_577 = arith.index_cast %mul3A_576 : i32 to index
      %get3A_578 = tpu.vector_load %arg12[%get3A_577] {strides = array<i32>} : memref<336xi32, #tpu.memory_space<vmem>>, vector<16xi32>,
      %mul3A_579 = arith.constant 16 : i32
      %mul3A_580 = arith.muli %while3A_570, %mul3A_579 : i32
      %add3A_581 = vector.broadcast %mul3A_580 : i32 to vector<16xi32>
      %add3A_582 = arith.addi %add3A_581, %iota3A : vector<16xi32>
      %lt3A = vector.broadcast %scan3A_410#0 : i32 to vector<16xi32>
      %lt3A_583 = arith.cmpi slt, %add3A_582, %lt3A : vector<16xi32>
      %mul3A_584 = arith.constant 8192 : i32
      %mul3A_585 = vector.broadcast %mul3A_584 : i32 to vector<16xi32>
      %mul3A_586 = arith.muli %get3A_578, %mul3A_585 : vector<16xi32>
      %add3A_587 = arith.addi %mul3A_586, %get3A_574 : vector<16xi32>
      %jit3A_588 = arith.constant -1 : i32
      %broadcast_in_dim3A_589 = vector.broadcast %jit3A_588 : i32 to vector<16xi32>
      %select_n3A_590 = arith.select %lt3A_583, %add3A_587, %broadcast_in_dim3A_589 : vector<16xi1>, vector<16xi32>
      %broadcast_in_dim3A_591 = arith.constant true
      %broadcast_in_dim3A_592 = vector.broadcast %broadcast_in_dim3A_591 : i1 to vector<16xi1>
      %masked_cummax3A = arith.constant -2147483648 : i32
      %masked_cummax3A_593 = vector.broadcast %masked_cummax3A : i32 to vector<16xi32>
      %masked_cummax3A_594 = arith.xori %select_n3A_590, %masked_cummax3A_593 : vector<16xi32>
      %masked_cummax3A_595 = tpu.scan <max>, %masked_cummax3A_594 masked %broadcast_in_dim3A_592 : vector<16xi32>, vector<16xi1> -> vector<16xi32>
      %masked_cummax3A_596 = arith.xori %masked_cummax3A_595, %masked_cummax3A_593 : vector<16xi32>
      %and3A_597 = arith.constant 8191 : i32
      %and3A_598 = vector.broadcast %and3A_597 : i32 to vector<16xi32>
      %and3A_599 = arith.andi %masked_cummax3A_596, %and3A_598 : vector<16xi32>
      %select_n3A_600 = arith.select %lt3A_583, %get3A_574, %and3A_599 : vector<16xi1>, vector<16xi32>
      %mul3A_601 = arith.constant 16 : i32
      %mul3A_602 = arith.muli %while3A_570, %mul3A_601 : i32
      %swap3A_603 = arith.index_cast %mul3A_602 : i32 to index
      %swap3A_604 = tpu.vector_load %arg13[%swap3A_603] {strides = array<i32>} : memref<336xi32, #tpu.memory_space<vmem>>, vector<16xi32>,
      tpu.vector_store %arg13[%swap3A_603], %select_n3A_600 {strides = array<i32>} : memref<336xi32, #tpu.memory_space<vmem>>, vector<16xi32>,
      %shift_right_logical3A = arith.constant 13 : i32
      %shift_right_logical3A_605 = vector.broadcast %shift_right_logical3A : i32 to vector<16xi32>
      %shift_right_logical3A_606 = arith.shrui %masked_cummax3A_596, %shift_right_logical3A_605 : vector<16xi32>
      %select_n3A_607 = arith.select %lt3A_583, %get3A_578, %shift_right_logical3A_606 : vector<16xi1>, vector<16xi32>
      %mul3A_608 = arith.constant 16 : i32
      %mul3A_609 = arith.muli %while3A_570, %mul3A_608 : i32
      %swap3A_610 = arith.index_cast %mul3A_609 : i32 to index
      %swap3A_611 = tpu.vector_load %arg12[%swap3A_610] {strides = array<i32>} : memref<336xi32, #tpu.memory_space<vmem>>, vector<16xi32>,
      tpu.vector_store %arg12[%swap3A_610], %select_n3A_607 {strides = array<i32>} : memref<336xi32, #tpu.memory_space<vmem>>, vector<16xi32>,
    }
    %while3A_472 = arith.constant 1 : i32
    scf.for %while3A_570 = %while3A_470 to %while3A_466 step %while3A_472  : i32 {
      %mul3A_571 = arith.constant 16 : i32
      %mul3A_572 = arith.muli %while3A_570, %mul3A_571 : i32
      %get3A_573 = arith.index_cast %mul3A_572 : i32 to index
      %get3A_574 = tpu.vector_load %arg13[%get3A_573] {strides = array<i32>} : memref<336xi32, #tpu.memory_space<vmem>>, vector<16xi32>,
      %mul3A_575 = arith.constant 16 : i32
      %mul3A_576 = arith.muli %while3A_570, %mul3A_575 : i32
      %get3A_577 = arith.index_cast %mul3A_576 : i32 to index
      %get3A_578 = tpu.vector_load %arg12[%get3A_577] {strides = array<i32>} : memref<336xi32, #tpu.memory_space<vmem>>, vector<16xi32>,
      %mul3A_579 = arith.constant 16 : i32
      %mul3A_580 = arith.muli %while3A_570, %mul3A_579 : i32
      %add3A_581 = vector.broadcast %mul3A_580 : i32 to vector<16xi32>
      %add3A_582 = arith.addi %add3A_581, %iota3A : vector<16xi32>
      %lt3A = vector.broadcast %scan3A_410#0 : i32 to vector<16xi32>
      %lt3A_583 = arith.cmpi slt, %add3A_582, %lt3A : vector<16xi32>
      %mul3A_584 = arith.constant 8192 : i32
      %mul3A_585 = vector.broadcast %mul3A_584 : i32 to vector<16xi32>
      %mul3A_586 = arith.muli %get3A_578, %mul3A_585 : vector<16xi32>
      %add3A_587 = arith.addi %mul3A_586, %get3A_574 : vector<16xi32>
      %jit3A_588 = arith.constant -1 : i32
      %broadcast_in_dim3A_589 = vector.broadcast %jit3A_588 : i32 to vector<16xi32>
      %select_n3A_590 = arith.select %lt3A_583, %add3A_587, %broadcast_in_dim3A_589 : vector<16xi1>, vector<16xi32>
      %broadcast_in_dim3A_591 = arith.constant true
      %broadcast_in_dim3A_592 = vector.broadcast %broadcast_in_dim3A_591 : i1 to vector<16xi1>
      %masked_cummax3A = arith.constant -2147483648 : i32
      %masked_cummax3A_593 = vector.broadcast %masked_cummax3A : i32 to vector<16xi32>
      %masked_cummax3A_594 = arith.xori %select_n3A_590, %masked_cummax3A_593 : vector<16xi32>
      %masked_cummax3A_595 = tpu.scan <max>, %masked_cummax3A_594 masked %broadcast_in_dim3A_592 : vector<16xi32>, vector<16xi1> -> vector<16xi32>
      %masked_cummax3A_596 = arith.xori %masked_cummax3A_595, %masked_cummax3A_593 : vector<16xi32>
      %and3A_597 = arith.constant 8191 : i32
      %and3A_598 = vector.broadcast %and3A_597 : i32 to vector<16xi32>
      %and3A_599 = arith.andi %masked_cummax3A_596, %and3A_598 : vector<16xi32>
      %select_n3A_600 = arith.select %lt3A_583, %get3A_574, %and3A_599 : vector<16xi1>, vector<16xi32>
      %mul3A_601 = arith.constant 16 : i32
      %mul3A_602 = arith.muli %while3A_570, %mul3A_601 : i32
      %swap3A_603 = arith.index_cast %mul3A_602 : i32 to index
      %swap3A_604 = tpu.vector_load %arg13[%swap3A_603] {strides = array<i32>} : memref<336xi32, #tpu.memory_space<vmem>>, vector<16xi32>,
      tpu.vector_store %arg13[%swap3A_603], %select_n3A_600 {strides = array<i32>} : memref<336xi32, #tpu.memory_space<vmem>>, vector<16xi32>,
      %shift_right_logical3A = arith.constant 13 : i32
      %shift_right_logical3A_605 = vector.broadcast %shift_right_logical3A : i32 to vector<16xi32>
      %shift_right_logical3A_606 = arith.shrui %masked_cummax3A_596, %shift_right_logical3A_605 : vector<16xi32>
      %select_n3A_607 = arith.select %lt3A_583, %get3A_578, %shift_right_logical3A_606 : vector<16xi1>, vector<16xi32>
      %mul3A_608 = arith.constant 16 : i32
      %mul3A_609 = arith.muli %while3A_570, %mul3A_608 : i32
      %swap3A_610 = arith.index_cast %mul3A_609 : i32 to index
      %swap3A_611 = tpu.vector_load %arg12[%swap3A_610] {strides = array<i32>} : memref<336xi32, #tpu.memory_space<vmem>>, vector<16xi32>,
      tpu.vector_store %arg12[%swap3A_610], %select_n3A_607 {strides = array<i32>} : memref<336xi32, #tpu.memory_space<vmem>>, vector<16xi32>,
    }
    %sub3A_473 = arith.constant 1 : i32
    %sub3A_474 = arith.subi %select_n3A_461, %sub3A_473 : i32
    %max3A_475 = arith.constant 0 : i32
    %max3A_476 = arith.maxsi %sub3A_474, %max3A_475 : i32
    %while3A_477 = arith.constant 0 : i32
    %while3A_478 = arith.subi %select_n3A_461, %max3A_476 : i32
    %while3A_479 = arith.addi %max3A_476, %while3A_478 : i32
    %while3A_480 = arith.constant 1 : i32
    %while3A_481 = arith.divsi %while3A_478, %while3A_480 : i32
    %while3A_482 = arith.muli %while3A_481, %while3A_480 : i32
    %while3A_483 = arith.addi %max3A_476, %while3A_482 : i32
    %while3A_484 = arith.constant 1 : i32
    scf.for %while3A_570 = %max3A_476 to %while3A_483 step %while3A_484  : i32 {
      %mul3A_571 = arith.constant 16 : i32
      %mul3A_572 = arith.muli %while3A_570, %mul3A_571 : i32
      %get3A_573 = arith.index_cast %mul3A_572 : i32 to index
      %get3A_574 = tpu.vector_load %arg14[%get3A_573] {strides = array<i32>} : memref<336xi32, #tpu.memory_space<vmem>>, vector<16xi32>,
      %mul3A_575 = arith.constant 16 : i32
      %mul3A_576 = arith.muli %while3A_570, %mul3A_575 : i32
      %add3A_577 = vector.broadcast %mul3A_576 : i32 to vector<16xi32>
      %add3A_578 = arith.addi %add3A_577, %iota3A : vector<16xi32>
      %lt3A = vector.broadcast %scan3A_410#1 : i32 to vector<16xi32>
      %lt3A_579 = arith.cmpi slt, %add3A_578, %lt3A : vector<16xi32>
      %jit3A_580 = arith.constant -1 : i32
      %broadcast_in_dim3A_581 = vector.broadcast %jit3A_580 : i32 to vector<16xi32>
      %select_n3A_582 = arith.select %lt3A_579, %get3A_574, %broadcast_in_dim3A_581 : vector<16xi1>, vector<16xi32>
      %broadcast_in_dim3A_583 = arith.constant true
      %broadcast_in_dim3A_584 = vector.broadcast %broadcast_in_dim3A_583 : i1 to vector<16xi1>
      %masked_cummax3A = arith.constant -2147483648 : i32
      %masked_cummax3A_585 = vector.broadcast %masked_cummax3A : i32 to vector<16xi32>
      %masked_cummax3A_586 = arith.xori %select_n3A_582, %masked_cummax3A_585 : vector<16xi32>
      %masked_cummax3A_587 = tpu.scan <max>, %masked_cummax3A_586 masked %broadcast_in_dim3A_584 : vector<16xi32>, vector<16xi1> -> vector<16xi32>
      %masked_cummax3A_588 = arith.xori %masked_cummax3A_587, %masked_cummax3A_585 : vector<16xi32>
      %select_n3A_589 = arith.select %lt3A_579, %get3A_574, %masked_cummax3A_588 : vector<16xi1>, vector<16xi32>
      %mul3A_590 = arith.constant 16 : i32
      %mul3A_591 = arith.muli %while3A_570, %mul3A_590 : i32
      %swap3A_592 = arith.index_cast %mul3A_591 : i32 to index
      %swap3A_593 = tpu.vector_load %arg14[%swap3A_592] {strides = array<i32>} : memref<336xi32, #tpu.memory_space<vmem>>, vector<16xi32>,
      tpu.vector_store %arg14[%swap3A_592], %select_n3A_589 {strides = array<i32>} : memref<336xi32, #tpu.memory_space<vmem>>, vector<16xi32>,
    }
    %while3A_485 = arith.constant 1 : i32
    scf.for %while3A_570 = %while3A_483 to %while3A_479 step %while3A_485  : i32 {
      %mul3A_571 = arith.constant 16 : i32
      %mul3A_572 = arith.muli %while3A_570, %mul3A_571 : i32
      %get3A_573 = arith.index_cast %mul3A_572 : i32 to index
      %get3A_574 = tpu.vector_load %arg14[%get3A_573] {strides = array<i32>} : memref<336xi32, #tpu.memory_space<vmem>>, vector<16xi32>,
      %mul3A_575 = arith.constant 16 : i32
      %mul3A_576 = arith.muli %while3A_570, %mul3A_575 : i32
      %add3A_577 = vector.broadcast %mul3A_576 : i32 to vector<16xi32>
      %add3A_578 = arith.addi %add3A_577, %iota3A : vector<16xi32>
      %lt3A = vector.broadcast %scan3A_410#1 : i32 to vector<16xi32>
      %lt3A_579 = arith.cmpi slt, %add3A_578, %lt3A : vector<16xi32>
      %jit3A_580 = arith.constant -1 : i32
      %broadcast_in_dim3A_581 = vector.broadcast %jit3A_580 : i32 to vector<16xi32>
      %select_n3A_582 = arith.select %lt3A_579, %get3A_574, %broadcast_in_dim3A_581 : vector<16xi1>, vector<16xi32>
      %broadcast_in_dim3A_583 = arith.constant true
      %broadcast_in_dim3A_584 = vector.broadcast %broadcast_in_dim3A_583 : i1 to vector<16xi1>
      %masked_cummax3A = arith.constant -2147483648 : i32
      %masked_cummax3A_585 = vector.broadcast %masked_cummax3A : i32 to vector<16xi32>
      %masked_cummax3A_586 = arith.xori %select_n3A_582, %masked_cummax3A_585 : vector<16xi32>
      %masked_cummax3A_587 = tpu.scan <max>, %masked_cummax3A_586 masked %broadcast_in_dim3A_584 : vector<16xi32>, vector<16xi1> -> vector<16xi32>
      %masked_cummax3A_588 = arith.xori %masked_cummax3A_587, %masked_cummax3A_585 : vector<16xi32>
      %select_n3A_589 = arith.select %lt3A_579, %get3A_574, %masked_cummax3A_588 : vector<16xi1>, vector<16xi32>
      %mul3A_590 = arith.constant 16 : i32
      %mul3A_591 = arith.muli %while3A_570, %mul3A_590 : i32
      %swap3A_592 = arith.index_cast %mul3A_591 : i32 to index
      %swap3A_593 = tpu.vector_load %arg14[%swap3A_592] {strides = array<i32>} : memref<336xi32, #tpu.memory_space<vmem>>, vector<16xi32>,
      tpu.vector_store %arg14[%swap3A_592], %select_n3A_589 {strides = array<i32>} : memref<336xi32, #tpu.memory_space<vmem>>, vector<16xi32>,
    }
    %mul3A_486 = arith.constant 16 : i32
    %mul3A_487 = arith.muli %select_n3A_433, %mul3A_486 : i32
    %while3A_488 = arith.constant 0 : i32
    %while3A_489 = arith.constant 0 : i32
    %while3A_490 = arith.subi %select_n3A_433, %while3A_489 : i32
    %while3A_491 = arith.addi %while3A_489, %while3A_490 : i32
    %while3A_492 = arith.constant 1 : i32
    %while3A_493 = arith.divsi %while3A_490, %while3A_492 : i32
    %while3A_494 = arith.muli %while3A_493, %while3A_492 : i32
    %while3A_495 = arith.addi %while3A_489, %while3A_494 : i32
    %while3A_496 = arith.constant 1 : i32
    scf.for %while3A_570 = %while3A_489 to %while3A_495 step %while3A_496  : i32 {
      %mul3A_571 = arith.constant 16 : i32
      %mul3A_572 = arith.muli %while3A_570, %mul3A_571 : i32
      %get3A_573 = arith.index_cast %mul3A_572 : i32 to index
      %get3A_574 = tpu.vector_load %arg13[%get3A_573] {strides = array<i32>} : memref<336xi32, #tpu.memory_space<vmem>>, vector<16xi32>,
      %mul3A_575 = arith.constant 16 : i32
      %mul3A_576 = arith.muli %while3A_570, %mul3A_575 : i32
      %dma_start3A_577 = arith.constant 0 : i32
      %dma_start3A_578 = tpu.memref_slice %arg16[%mul3A_576, %dma_start3A_577] : memref<352x256xf32, #tpu.memory_space<vmem>> -> memref<16x256xf32, #tpu.memory_space<vmem>>
      %dma_start3A_579 = arith.constant 0 : i32
      %dma_start3A_580 = arith.constant 0 : i32
      %dma_start3A_581 = tpu.memref_slice %arg5[%dma_start3A_579, %dma_start3A_580] : memref<8192x256xf32, #tpu.memory_space<hbm>> -> memref<8192x256xf32, #tpu.memory_space<hbm>>
      tpu.enqueue_indirect_dma source(%dma_start3A_581 : memref<8192x256xf32, #tpu.memory_space<hbm>>) target(%dma_start3A_578 : memref<16x256xf32, #tpu.memory_space<vmem>>) offsets(%get3A_574 : vector<16xi32>) semaphore(%arg20 : memref<!tpu.dma_semaphore, #tpu.memory_space<semaphore_mem>>)
    }
    %while3A_497 = arith.constant 1 : i32
    scf.for %while3A_570 = %while3A_495 to %while3A_491 step %while3A_497  : i32 {
      %mul3A_571 = arith.constant 16 : i32
      %mul3A_572 = arith.muli %while3A_570, %mul3A_571 : i32
      %get3A_573 = arith.index_cast %mul3A_572 : i32 to index
      %get3A_574 = tpu.vector_load %arg13[%get3A_573] {strides = array<i32>} : memref<336xi32, #tpu.memory_space<vmem>>, vector<16xi32>,
      %mul3A_575 = arith.constant 16 : i32
      %mul3A_576 = arith.muli %while3A_570, %mul3A_575 : i32
      %dma_start3A_577 = arith.constant 0 : i32
      %dma_start3A_578 = tpu.memref_slice %arg16[%mul3A_576, %dma_start3A_577] : memref<352x256xf32, #tpu.memory_space<vmem>> -> memref<16x256xf32, #tpu.memory_space<vmem>>
      %dma_start3A_579 = arith.constant 0 : i32
      %dma_start3A_580 = arith.constant 0 : i32
      %dma_start3A_581 = tpu.memref_slice %arg5[%dma_start3A_579, %dma_start3A_580] : memref<8192x256xf32, #tpu.memory_space<hbm>> -> memref<8192x256xf32, #tpu.memory_space<hbm>>
      tpu.enqueue_indirect_dma source(%dma_start3A_581 : memref<8192x256xf32, #tpu.memory_space<hbm>>) target(%dma_start3A_578 : memref<16x256xf32, #tpu.memory_space<vmem>>) offsets(%get3A_574 : vector<16xi32>) semaphore(%arg20 : memref<!tpu.dma_semaphore, #tpu.memory_space<semaphore_mem>>)
    }
    %while3A_498 = arith.constant 0 : i32
    %while3A_499 = arith.constant 0 : i32
    %while3A_500 = arith.subi %select_n3A_461, %while3A_499 : i32
    %while3A_501 = arith.addi %while3A_499, %while3A_500 : i32
    %while3A_502 = arith.constant 1 : i32
    %while3A_503 = arith.divsi %while3A_500, %while3A_502 : i32
    %while3A_504 = arith.muli %while3A_503, %while3A_502 : i32
    %while3A_505 = arith.addi %while3A_499, %while3A_504 : i32
    %while3A_506 = arith.constant 1 : i32
    scf.for %while3A_570 = %while3A_499 to %while3A_505 step %while3A_506  : i32 {
      %mul3A_571 = arith.constant 16 : i32
      %mul3A_572 = arith.muli %while3A_570, %mul3A_571 : i32
      %get3A_573 = arith.index_cast %mul3A_572 : i32 to index
      %get3A_574 = tpu.vector_load %arg14[%get3A_573] {strides = array<i32>} : memref<336xi32, #tpu.memory_space<vmem>>, vector<16xi32>,
      %mul3A_575 = arith.constant 16 : i32
      %mul3A_576 = arith.muli %while3A_570, %mul3A_575 : i32
      %add3A_577 = arith.addi %mul3A_487, %mul3A_576 : i32
      %dma_start3A_578 = arith.constant 0 : i32
      %dma_start3A_579 = tpu.memref_slice %arg16[%add3A_577, %dma_start3A_578] : memref<352x256xf32, #tpu.memory_space<vmem>> -> memref<16x256xf32, #tpu.memory_space<vmem>>
      %dma_start3A_580 = arith.constant 0 : i32
      %dma_start3A_581 = arith.constant 0 : i32
      %dma_start3A_582 = tpu.memref_slice %arg2[%dma_start3A_580, %dma_start3A_581] : memref<10000x256xf32, #tpu.memory_space<hbm>> -> memref<10000x256xf32, #tpu.memory_space<hbm>>
      tpu.enqueue_indirect_dma source(%dma_start3A_582 : memref<10000x256xf32, #tpu.memory_space<hbm>>) target(%dma_start3A_579 : memref<16x256xf32, #tpu.memory_space<vmem>>) offsets(%get3A_574 : vector<16xi32>) semaphore(%arg21 : memref<!tpu.dma_semaphore, #tpu.memory_space<semaphore_mem>>)
    }
    %while3A_507 = arith.constant 1 : i32
    scf.for %while3A_570 = %while3A_505 to %while3A_501 step %while3A_507  : i32 {
      %mul3A_571 = arith.constant 16 : i32
      %mul3A_572 = arith.muli %while3A_570, %mul3A_571 : i32
      %get3A_573 = arith.index_cast %mul3A_572 : i32 to index
      %get3A_574 = tpu.vector_load %arg14[%get3A_573] {strides = array<i32>} : memref<336xi32, #tpu.memory_space<vmem>>, vector<16xi32>,
      %mul3A_575 = arith.constant 16 : i32
      %mul3A_576 = arith.muli %while3A_570, %mul3A_575 : i32
      %add3A_577 = arith.addi %mul3A_487, %mul3A_576 : i32
      %dma_start3A_578 = arith.constant 0 : i32
      %dma_start3A_579 = tpu.memref_slice %arg16[%add3A_577, %dma_start3A_578] : memref<352x256xf32, #tpu.memory_space<vmem>> -> memref<16x256xf32, #tpu.memory_space<vmem>>
      %dma_start3A_580 = arith.constant 0 : i32
      %dma_start3A_581 = arith.constant 0 : i32
      %dma_start3A_582 = tpu.memref_slice %arg2[%dma_start3A_580, %dma_start3A_581] : memref<10000x256xf32, #tpu.memory_space<hbm>> -> memref<10000x256xf32, #tpu.memory_space<hbm>>
      tpu.enqueue_indirect_dma source(%dma_start3A_582 : memref<10000x256xf32, #tpu.memory_space<hbm>>) target(%dma_start3A_579 : memref<16x256xf32, #tpu.memory_space<vmem>>) offsets(%get3A_574 : vector<16xi32>) semaphore(%arg21 : memref<!tpu.dma_semaphore, #tpu.memory_space<semaphore_mem>>)
    }
    %while3A_508 = arith.constant 0 : i32
    %while3A_509 = arith.constant 0 : i32
    %while3A_510 = arith.subi %select_n3A_433, %while3A_509 : i32
    %while3A_511 = arith.addi %while3A_509, %while3A_510 : i32
    %while3A_512 = arith.constant 1 : i32
    %while3A_513 = arith.divsi %while3A_510, %while3A_512 : i32
    %while3A_514 = arith.muli %while3A_513, %while3A_512 : i32
    %while3A_515 = arith.addi %while3A_509, %while3A_514 : i32
    %while3A_516 = arith.constant 1 : i32
    scf.for %while3A_570 = %while3A_509 to %while3A_515 step %while3A_516  : i32 {
      %mul3A_571 = arith.constant 16 : i32
      %mul3A_572 = arith.muli %while3A_570, %mul3A_571 : i32
      %get3A_573 = arith.index_cast %mul3A_572 : i32 to index
      %get3A_574 = tpu.vector_load %arg13[%get3A_573] {strides = array<i32>} : memref<336xi32, #tpu.memory_space<vmem>>, vector<16xi32>,
      %mul3A_575 = arith.constant 16 : i32
      %mul3A_576 = arith.muli %while3A_570, %mul3A_575 : i32
      %dma_wait3A_577 = arith.constant 0 : i32
      %dma_wait3A_578 = tpu.memref_slice %arg16[%mul3A_576, %dma_wait3A_577] : memref<352x256xf32, #tpu.memory_space<vmem>> -> memref<16x256xf32, #tpu.memory_space<vmem>>
      %dma_wait3A_579 = arith.constant 0 : i32
      %dma_wait3A_580 = arith.constant 0 : i32
      %dma_wait3A_581 = tpu.memref_slice %arg5[%dma_wait3A_579, %dma_wait3A_580] : memref<8192x256xf32, #tpu.memory_space<hbm>> -> memref<8192x256xf32, #tpu.memory_space<hbm>>
      tpu.wait_indirect_dma semaphore(%arg20 : memref<!tpu.dma_semaphore, #tpu.memory_space<semaphore_mem>>) src(%dma_wait3A_581 : memref<8192x256xf32, #tpu.memory_space<hbm>>) dst(%dma_wait3A_578 : memref<16x256xf32, #tpu.memory_space<vmem>>)
    }
    %while3A_517 = arith.constant 1 : i32
    scf.for %while3A_570 = %while3A_515 to %while3A_511 step %while3A_517  : i32 {
      %mul3A_571 = arith.constant 16 : i32
      %mul3A_572 = arith.muli %while3A_570, %mul3A_571 : i32
      %get3A_573 = arith.index_cast %mul3A_572 : i32 to index
      %get3A_574 = tpu.vector_load %arg13[%get3A_573] {strides = array<i32>} : memref<336xi32, #tpu.memory_space<vmem>>, vector<16xi32>,
      %mul3A_575 = arith.constant 16 : i32
      %mul3A_576 = arith.muli %while3A_570, %mul3A_575 : i32
      %dma_wait3A_577 = arith.constant 0 : i32
      %dma_wait3A_578 = tpu.memref_slice %arg16[%mul3A_576, %dma_wait3A_577] : memref<352x256xf32, #tpu.memory_space<vmem>> -> memref<16x256xf32, #tpu.memory_space<vmem>>
      %dma_wait3A_579 = arith.constant 0 : i32
      %dma_wait3A_580 = arith.constant 0 : i32
      %dma_wait3A_581 = tpu.memref_slice %arg5[%dma_wait3A_579, %dma_wait3A_580] : memref<8192x256xf32, #tpu.memory_space<hbm>> -> memref<8192x256xf32, #tpu.memory_space<hbm>>
      tpu.wait_indirect_dma semaphore(%arg20 : memref<!tpu.dma_semaphore, #tpu.memory_space<semaphore_mem>>) src(%dma_wait3A_581 : memref<8192x256xf32, #tpu.memory_space<hbm>>) dst(%dma_wait3A_578 : memref<16x256xf32, #tpu.memory_space<vmem>>)
    }
    %while3A_518 = arith.constant 0 : i32
    %while3A_519 = arith.constant 0 : i32
    %while3A_520 = arith.subi %select_n3A_433, %while3A_519 : i32
    %while3A_521 = arith.addi %while3A_519, %while3A_520 : i32
    %while3A_522 = arith.constant 1 : i32
    %while3A_523 = arith.divsi %while3A_520, %while3A_522 : i32
    %while3A_524 = arith.muli %while3A_523, %while3A_522 : i32
    %while3A_525 = arith.addi %while3A_519, %while3A_524 : i32
    %while3A_526 = arith.constant 1 : i32
    scf.for %while3A_570 = %while3A_519 to %while3A_525 step %while3A_526  : i32 {
      %mul3A_571 = arith.constant 16 : i32
      %mul3A_572 = arith.muli %while3A_570, %mul3A_571 : i32
      %get3A_573 = arith.index_cast %mul3A_572 : i32 to index
      %get3A_574 = tpu.vector_load %arg12[%get3A_573] {strides = array<i32>} : memref<336xi32, #tpu.memory_space<vmem>>, vector<16xi32>,
      %mul3A_575 = arith.constant 16 : i32
      %mul3A_576 = arith.muli %while3A_570, %mul3A_575 : i32
      %dma_start3A_577 = arith.constant 0 : i32
      %dma_start3A_578 = tpu.memref_slice %arg16[%mul3A_576, %dma_start3A_577] : memref<352x256xf32, #tpu.memory_space<vmem>> -> memref<16x256xf32, #tpu.memory_space<vmem>>
      %dma_start3A_579 = arith.constant 0 : i32
      %dma_start3A_580 = arith.constant 0 : i32
      %dma_start3A_581 = tpu.memref_slice %arg7[%dma_start3A_579, %dma_start3A_580] : memref<10000x256xf32, #tpu.memory_space<hbm>> -> memref<10000x256xf32, #tpu.memory_space<hbm>>
      tpu.enqueue_indirect_dma source(%dma_start3A_578 : memref<16x256xf32, #tpu.memory_space<vmem>>) target(%dma_start3A_581 : memref<10000x256xf32, #tpu.memory_space<hbm>>) offsets(%get3A_574 : vector<16xi32>) semaphore(%arg22 : memref<!tpu.dma_semaphore, #tpu.memory_space<semaphore_mem>>)
    }
    %while3A_527 = arith.constant 1 : i32
    scf.for %while3A_570 = %while3A_525 to %while3A_521 step %while3A_527  : i32 {
      %mul3A_571 = arith.constant 16 : i32
      %mul3A_572 = arith.muli %while3A_570, %mul3A_571 : i32
      %get3A_573 = arith.index_cast %mul3A_572 : i32 to index
      %get3A_574 = tpu.vector_load %arg12[%get3A_573] {strides = array<i32>} : memref<336xi32, #tpu.memory_space<vmem>>, vector<16xi32>,
      %mul3A_575 = arith.constant 16 : i32
      %mul3A_576 = arith.muli %while3A_570, %mul3A_575 : i32
      %dma_start3A_577 = arith.constant 0 : i32
      %dma_start3A_578 = tpu.memref_slice %arg16[%mul3A_576, %dma_start3A_577] : memref<352x256xf32, #tpu.memory_space<vmem>> -> memref<16x256xf32, #tpu.memory_space<vmem>>
      %dma_start3A_579 = arith.constant 0 : i32
      %dma_start3A_580 = arith.constant 0 : i32
      %dma_start3A_581 = tpu.memref_slice %arg7[%dma_start3A_579, %dma_start3A_580] : memref<10000x256xf32, #tpu.memory_space<hbm>> -> memref<10000x256xf32, #tpu.memory_space<hbm>>
      tpu.enqueue_indirect_dma source(%dma_start3A_578 : memref<16x256xf32, #tpu.memory_space<vmem>>) target(%dma_start3A_581 : memref<10000x256xf32, #tpu.memory_space<hbm>>) offsets(%get3A_574 : vector<16xi32>) semaphore(%arg22 : memref<!tpu.dma_semaphore, #tpu.memory_space<semaphore_mem>>)
    }
    %while3A_528 = arith.constant 0 : i32
    %while3A_529 = arith.constant 0 : i32
    %while3A_530 = arith.subi %select_n3A_461, %while3A_529 : i32
    %while3A_531 = arith.addi %while3A_529, %while3A_530 : i32
    %while3A_532 = arith.constant 1 : i32
    %while3A_533 = arith.divsi %while3A_530, %while3A_532 : i32
    %while3A_534 = arith.muli %while3A_533, %while3A_532 : i32
    %while3A_535 = arith.addi %while3A_529, %while3A_534 : i32
    %while3A_536 = arith.constant 1 : i32
    scf.for %while3A_570 = %while3A_529 to %while3A_535 step %while3A_536  : i32 {
      %mul3A_571 = arith.constant 16 : i32
      %mul3A_572 = arith.muli %while3A_570, %mul3A_571 : i32
      %get3A_573 = arith.index_cast %mul3A_572 : i32 to index
      %get3A_574 = tpu.vector_load %arg14[%get3A_573] {strides = array<i32>} : memref<336xi32, #tpu.memory_space<vmem>>, vector<16xi32>,
      %mul3A_575 = arith.constant 16 : i32
      %mul3A_576 = arith.muli %while3A_570, %mul3A_575 : i32
      %add3A_577 = arith.addi %mul3A_487, %mul3A_576 : i32
      %dma_wait3A_578 = arith.constant 0 : i32
      %dma_wait3A_579 = tpu.memref_slice %arg16[%add3A_577, %dma_wait3A_578] : memref<352x256xf32, #tpu.memory_space<vmem>> -> memref<16x256xf32, #tpu.memory_space<vmem>>
      %dma_wait3A_580 = arith.constant 0 : i32
      %dma_wait3A_581 = arith.constant 0 : i32
      %dma_wait3A_582 = tpu.memref_slice %arg2[%dma_wait3A_580, %dma_wait3A_581] : memref<10000x256xf32, #tpu.memory_space<hbm>> -> memref<10000x256xf32, #tpu.memory_space<hbm>>
      tpu.wait_indirect_dma semaphore(%arg21 : memref<!tpu.dma_semaphore, #tpu.memory_space<semaphore_mem>>) src(%dma_wait3A_582 : memref<10000x256xf32, #tpu.memory_space<hbm>>) dst(%dma_wait3A_579 : memref<16x256xf32, #tpu.memory_space<vmem>>)
    }
    %while3A_537 = arith.constant 1 : i32
    scf.for %while3A_570 = %while3A_535 to %while3A_531 step %while3A_537  : i32 {
      %mul3A_571 = arith.constant 16 : i32
      %mul3A_572 = arith.muli %while3A_570, %mul3A_571 : i32
      %get3A_573 = arith.index_cast %mul3A_572 : i32 to index
      %get3A_574 = tpu.vector_load %arg14[%get3A_573] {strides = array<i32>} : memref<336xi32, #tpu.memory_space<vmem>>, vector<16xi32>,
      %mul3A_575 = arith.constant 16 : i32
      %mul3A_576 = arith.muli %while3A_570, %mul3A_575 : i32
      %add3A_577 = arith.addi %mul3A_487, %mul3A_576 : i32
      %dma_wait3A_578 = arith.constant 0 : i32
      %dma_wait3A_579 = tpu.memref_slice %arg16[%add3A_577, %dma_wait3A_578] : memref<352x256xf32, #tpu.memory_space<vmem>> -> memref<16x256xf32, #tpu.memory_space<vmem>>
      %dma_wait3A_580 = arith.constant 0 : i32
      %dma_wait3A_581 = arith.constant 0 : i32
      %dma_wait3A_582 = tpu.memref_slice %arg2[%dma_wait3A_580, %dma_wait3A_581] : memref<10000x256xf32, #tpu.memory_space<hbm>> -> memref<10000x256xf32, #tpu.memory_space<hbm>>
      tpu.wait_indirect_dma semaphore(%arg21 : memref<!tpu.dma_semaphore, #tpu.memory_space<semaphore_mem>>) src(%dma_wait3A_582 : memref<10000x256xf32, #tpu.memory_space<hbm>>) dst(%dma_wait3A_579 : memref<16x256xf32, #tpu.memory_space<vmem>>)
    }
    %while3A_538 = arith.constant 0 : i32
    %while3A_539 = arith.constant 0 : i32
    %while3A_540 = arith.subi %select_n3A_461, %while3A_539 : i32
    %while3A_541 = arith.addi %while3A_539, %while3A_540 : i32
    %while3A_542 = arith.constant 1 : i32
    %while3A_543 = arith.divsi %while3A_540, %while3A_542 : i32
    %while3A_544 = arith.muli %while3A_543, %while3A_542 : i32
    %while3A_545 = arith.addi %while3A_539, %while3A_544 : i32
    %while3A_546 = arith.constant 1 : i32
    scf.for %while3A_570 = %while3A_539 to %while3A_545 step %while3A_546  : i32 {
      %mul3A_571 = arith.constant 16 : i32
      %mul3A_572 = arith.muli %while3A_570, %mul3A_571 : i32
      %get3A_573 = arith.index_cast %mul3A_572 : i32 to index
      %get3A_574 = tpu.vector_load %arg14[%get3A_573] {strides = array<i32>} : memref<336xi32, #tpu.memory_space<vmem>>, vector<16xi32>,
      %mul3A_575 = arith.constant 16 : i32
      %mul3A_576 = arith.muli %while3A_570, %mul3A_575 : i32
      %add3A_577 = arith.addi %mul3A_487, %mul3A_576 : i32
      %dma_start3A_578 = arith.constant 0 : i32
      %dma_start3A_579 = tpu.memref_slice %arg16[%add3A_577, %dma_start3A_578] : memref<352x256xf32, #tpu.memory_space<vmem>> -> memref<16x256xf32, #tpu.memory_space<vmem>>
      %dma_start3A_580 = arith.constant 0 : i32
      %dma_start3A_581 = arith.constant 0 : i32
      %dma_start3A_582 = tpu.memref_slice %arg7[%dma_start3A_580, %dma_start3A_581] : memref<10000x256xf32, #tpu.memory_space<hbm>> -> memref<10000x256xf32, #tpu.memory_space<hbm>>
      tpu.enqueue_indirect_dma source(%dma_start3A_579 : memref<16x256xf32, #tpu.memory_space<vmem>>) target(%dma_start3A_582 : memref<10000x256xf32, #tpu.memory_space<hbm>>) offsets(%get3A_574 : vector<16xi32>) semaphore(%arg22 : memref<!tpu.dma_semaphore, #tpu.memory_space<semaphore_mem>>)
    }
    %while3A_547 = arith.constant 1 : i32
    scf.for %while3A_570 = %while3A_545 to %while3A_541 step %while3A_547  : i32 {
      %mul3A_571 = arith.constant 16 : i32
      %mul3A_572 = arith.muli %while3A_570, %mul3A_571 : i32
      %get3A_573 = arith.index_cast %mul3A_572 : i32 to index
      %get3A_574 = tpu.vector_load %arg14[%get3A_573] {strides = array<i32>} : memref<336xi32, #tpu.memory_space<vmem>>, vector<16xi32>,
      %mul3A_575 = arith.constant 16 : i32
      %mul3A_576 = arith.muli %while3A_570, %mul3A_575 : i32
      %add3A_577 = arith.addi %mul3A_487, %mul3A_576 : i32
      %dma_start3A_578 = arith.constant 0 : i32
      %dma_start3A_579 = tpu.memref_slice %arg16[%add3A_577, %dma_start3A_578] : memref<352x256xf32, #tpu.memory_space<vmem>> -> memref<16x256xf32, #tpu.memory_space<vmem>>
      %dma_start3A_580 = arith.constant 0 : i32
      %dma_start3A_581 = arith.constant 0 : i32
      %dma_start3A_582 = tpu.memref_slice %arg7[%dma_start3A_580, %dma_start3A_581] : memref<10000x256xf32, #tpu.memory_space<hbm>> -> memref<10000x256xf32, #tpu.memory_space<hbm>>
      tpu.enqueue_indirect_dma source(%dma_start3A_579 : memref<16x256xf32, #tpu.memory_space<vmem>>) target(%dma_start3A_582 : memref<10000x256xf32, #tpu.memory_space<hbm>>) offsets(%get3A_574 : vector<16xi32>) semaphore(%arg22 : memref<!tpu.dma_semaphore, #tpu.memory_space<semaphore_mem>>)
    }
    %while3A_548 = arith.constant 0 : i32
    %while3A_549 = arith.constant 0 : i32
    %while3A_550 = arith.subi %select_n3A_433, %while3A_549 : i32
    %while3A_551 = arith.addi %while3A_549, %while3A_550 : i32
    %while3A_552 = arith.constant 1 : i32
    %while3A_553 = arith.divsi %while3A_550, %while3A_552 : i32
    %while3A_554 = arith.muli %while3A_553, %while3A_552 : i32
    %while3A_555 = arith.addi %while3A_549, %while3A_554 : i32
    %while3A_556 = arith.constant 1 : i32
    scf.for %while3A_570 = %while3A_549 to %while3A_555 step %while3A_556  : i32 {
      %mul3A_571 = arith.constant 16 : i32
      %mul3A_572 = arith.muli %while3A_570, %mul3A_571 : i32
      %get3A_573 = arith.index_cast %mul3A_572 : i32 to index
      %get3A_574 = tpu.vector_load %arg12[%get3A_573] {strides = array<i32>} : memref<336xi32, #tpu.memory_space<vmem>>, vector<16xi32>,
      %mul3A_575 = arith.constant 16 : i32
      %mul3A_576 = arith.muli %while3A_570, %mul3A_575 : i32
      %dma_wait3A_577 = arith.constant 0 : i32
      %dma_wait3A_578 = tpu.memref_slice %arg16[%mul3A_576, %dma_wait3A_577] : memref<352x256xf32, #tpu.memory_space<vmem>> -> memref<16x256xf32, #tpu.memory_space<vmem>>
      %dma_wait3A_579 = arith.constant 0 : i32
      %dma_wait3A_580 = arith.constant 0 : i32
      %dma_wait3A_581 = tpu.memref_slice %arg7[%dma_wait3A_579, %dma_wait3A_580] : memref<10000x256xf32, #tpu.memory_space<hbm>> -> memref<10000x256xf32, #tpu.memory_space<hbm>>
      tpu.wait_indirect_dma semaphore(%arg22 : memref<!tpu.dma_semaphore, #tpu.memory_space<semaphore_mem>>) src(%dma_wait3A_578 : memref<16x256xf32, #tpu.memory_space<vmem>>) dst(%dma_wait3A_581 : memref<10000x256xf32, #tpu.memory_space<hbm>>)
    }
    %while3A_557 = arith.constant 1 : i32
    scf.for %while3A_570 = %while3A_555 to %while3A_551 step %while3A_557  : i32 {
      %mul3A_571 = arith.constant 16 : i32
      %mul3A_572 = arith.muli %while3A_570, %mul3A_571 : i32
      %get3A_573 = arith.index_cast %mul3A_572 : i32 to index
      %get3A_574 = tpu.vector_load %arg12[%get3A_573] {strides = array<i32>} : memref<336xi32, #tpu.memory_space<vmem>>, vector<16xi32>,
      %mul3A_575 = arith.constant 16 : i32
      %mul3A_576 = arith.muli %while3A_570, %mul3A_575 : i32
      %dma_wait3A_577 = arith.constant 0 : i32
      %dma_wait3A_578 = tpu.memref_slice %arg16[%mul3A_576, %dma_wait3A_577] : memref<352x256xf32, #tpu.memory_space<vmem>> -> memref<16x256xf32, #tpu.memory_space<vmem>>
      %dma_wait3A_579 = arith.constant 0 : i32
      %dma_wait3A_580 = arith.constant 0 : i32
      %dma_wait3A_581 = tpu.memref_slice %arg7[%dma_wait3A_579, %dma_wait3A_580] : memref<10000x256xf32, #tpu.memory_space<hbm>> -> memref<10000x256xf32, #tpu.memory_space<hbm>>
      tpu.wait_indirect_dma semaphore(%arg22 : memref<!tpu.dma_semaphore, #tpu.memory_space<semaphore_mem>>) src(%dma_wait3A_578 : memref<16x256xf32, #tpu.memory_space<vmem>>) dst(%dma_wait3A_581 : memref<10000x256xf32, #tpu.memory_space<hbm>>)
    }
    %while3A_558 = arith.constant 0 : i32
    %while3A_559 = arith.constant 0 : i32
    %while3A_560 = arith.subi %select_n3A_461, %while3A_559 : i32
    %while3A_561 = arith.addi %while3A_559, %while3A_560 : i32
    %while3A_562 = arith.constant 1 : i32
    %while3A_563 = arith.divsi %while3A_560, %while3A_562 : i32
    %while3A_564 = arith.muli %while3A_563, %while3A_562 : i32
    %while3A_565 = arith.addi %while3A_559, %while3A_564 : i32
    %while3A_566 = arith.constant 1 : i32
    scf.for %while3A_570 = %while3A_559 to %while3A_565 step %while3A_566  : i32 {
      %mul3A_571 = arith.constant 16 : i32
      %mul3A_572 = arith.muli %while3A_570, %mul3A_571 : i32
      %get3A_573 = arith.index_cast %mul3A_572 : i32 to index
      %get3A_574 = tpu.vector_load %arg14[%get3A_573] {strides = array<i32>} : memref<336xi32, #tpu.memory_space<vmem>>, vector<16xi32>,
      %mul3A_575 = arith.constant 16 : i32
      %mul3A_576 = arith.muli %while3A_570, %mul3A_575 : i32
      %add3A_577 = arith.addi %mul3A_487, %mul3A_576 : i32
      %dma_wait3A_578 = arith.constant 0 : i32
      %dma_wait3A_579 = tpu.memref_slice %arg16[%add3A_577, %dma_wait3A_578] : memref<352x256xf32, #tpu.memory_space<vmem>> -> memref<16x256xf32, #tpu.memory_space<vmem>>
      %dma_wait3A_580 = arith.constant 0 : i32
      %dma_wait3A_581 = arith.constant 0 : i32
      %dma_wait3A_582 = tpu.memref_slice %arg7[%dma_wait3A_580, %dma_wait3A_581] : memref<10000x256xf32, #tpu.memory_space<hbm>> -> memref<10000x256xf32, #tpu.memory_space<hbm>>
      tpu.wait_indirect_dma semaphore(%arg22 : memref<!tpu.dma_semaphore, #tpu.memory_space<semaphore_mem>>) src(%dma_wait3A_579 : memref<16x256xf32, #tpu.memory_space<vmem>>) dst(%dma_wait3A_582 : memref<10000x256xf32, #tpu.memory_space<hbm>>)
    }
    %while3A_567 = arith.constant 1 : i32
    scf.for %while3A_570 = %while3A_565 to %while3A_561 step %while3A_567  : i32 {
      %mul3A_571 = arith.constant 16 : i32
      %mul3A_572 = arith.muli %while3A_570, %mul3A_571 : i32
      %get3A_573 = arith.index_cast %mul3A_572 : i32 to index
      %get3A_574 = tpu.vector_load %arg14[%get3A_573] {strides = array<i32>} : memref<336xi32, #tpu.memory_space<vmem>>, vector<16xi32>,
      %mul3A_575 = arith.constant 16 : i32
      %mul3A_576 = arith.muli %while3A_570, %mul3A_575 : i32
      %add3A_577 = arith.addi %mul3A_487, %mul3A_576 : i32
      %dma_wait3A_578 = arith.constant 0 : i32
      %dma_wait3A_579 = tpu.memref_slice %arg16[%add3A_577, %dma_wait3A_578] : memref<352x256xf32, #tpu.memory_space<vmem>> -> memref<16x256xf32, #tpu.memory_space<vmem>>
      %dma_wait3A_580 = arith.constant 0 : i32
      %dma_wait3A_581 = arith.constant 0 : i32
      %dma_wait3A_582 = tpu.memref_slice %arg7[%dma_wait3A_580, %dma_wait3A_581] : memref<10000x256xf32, #tpu.memory_space<hbm>> -> memref<10000x256xf32, #tpu.memory_space<hbm>>
      tpu.wait_indirect_dma semaphore(%arg22 : memref<!tpu.dma_semaphore, #tpu.memory_space<semaphore_mem>>) src(%dma_wait3A_579 : memref<16x256xf32, #tpu.memory_space<vmem>>) dst(%dma_wait3A_582 : memref<10000x256xf32, #tpu.memory_space<hbm>>)
    }
    %dma_wait3A_568 = tpu.memref_slice %arg8[%min3A_3] : memref<10000xi32, #tpu.memory_space<hbm>> -> memref<320xi32, #tpu.memory_space<hbm>>
    %dma_wait3A_569 = tpu.memref_slice %arg8[%min3A_3] : memref<10000xi32, #tpu.memory_space<hbm>> -> memref<320xi32, #tpu.memory_space<hbm>>
    tpu.wait_dma2 semaphore(%arg19 : memref<!tpu.dma_semaphore, #tpu.memory_space<semaphore_mem>>) src(%arg15 : memref<320xi32, #tpu.memory_space<vmem>>) dst(%dma_wait3A_569 : memref<320xi32, #tpu.memory_space<hbm>>)
    return
  }
}

</mosaic_0001>

<sc_bundles>
// kernel: kernel.3.cloned.1.call-start
scs
__scs_entry_jumppad:
0x0: {  	(pc) =	sbr.rel $0x88, $3  }
0x1: {  	(tag) =	ssettag $0x0;
	lr =	simm.s32 $0x1  }
0x2: {  	[smem:$0x3F9C] =	sst lr;
	_ =	strace $0xD0000000  }
0x3: {  	_ = 	snop  }
0x4: {  	_ = 	snop  }
0x5: {  	_ = 	snop  }
0x6: {  	_ = 	snop  }
0x7: {  	_ = 	snop  }
__scs_overlays_trampoline_lowered:
0x8: {  	[smem:$0x3FAB] =	sst s0  }
0x9: {  	[smem:$0x3FAC] =	sst s1  }
0xa: {  	[smem:$0x3FAD] =	sst s2  }
0xb: {  	[smem:$0x3FAE] =	sst s3  }
0xc: {  	[smem:$0x3FAF] =	sst s4  }
0xd: {  	[smem:$0x3FB0] =	sst s5  }
0xe: {  	[smem:$0x3FB1] =	sst s6  }
0xf: {  	[smem:$0x3FB2] =	sst s7  }
0x10: {  	[smem:$0x3FB3] =	sst s8  }
0x11: {  	[smem:$0x3FB4] =	sst s9;
	s0 =	simm.s32 @!p0 $0x0  }
0x12: {  	s1 =	sld [smem:$0x3F9A];
	s0 =	simm.s32 @p0 $0x1  }
0x13: {  	[smem:$0x3FB5] =	sst s0;
	s0 =	simm.s32 @!p1 $0x0  }
0x14: {  	s2 =	sld [smem:$0x3F99];
	s0 =	simm.s32 @p1 $0x1  }
0x15: {  	[smem:$0x3FB6] =	sst s0;
	s0 =	simm.s32 @!p2 $0x0  }
0x16: {  	s3 =	sld [smem:$0x3FDB];
	s0 =	simm.s32 @p2 $0x1  }
0x17: {  	s4 =	simm.s32 $0x1BF5;
	[smem:$0x3FB8] =	sst s0  }
0x18: {  	s0 =	sld [smem:$0x3F9B];
	_ =	swait.ge [sflag:s4], $0x0  }
0x19: {  	s7 =	sld [smem:$0x3F9C]  }
0x1a: {  	s8 =	sadd.s32 $0xFFFFE003, lr  }
0x1b: {  	s9 =	sadd.s32 $0xFFFFFEF7, lr;
	s5 =	simm.s32 $0xFFFFFFFF;
	p2 =	slt.u32 s8, $0xFFFFF086  }
0x1c: {  	p1 =	slt.u32 s9, $0xF7A;
	s5 =	simm.s32 @!p2 $0x0  }
0x1d: {  	s5 =	simm.s32 @p1 $0x1;
	p0 =	seq.s32 s7, s2  }
0x1e: {  	s7 =	smul.u32 @!p0 $0xF7A, s2;
	p2 =	seq.s32 @!p0 s5, $0x0  }
0x1f: {  	s9 =	smul.u32 $0xF7A, s1;
	s8 =	simm.s32 @!p0 $0x1BF5;
	p2 =	por !p2, p0  }
0x20: {  	[sflag:s8] =	ssyncset.s32 @!p0 $0xFFFFF086;
	s6 =	sadd.s32 @!p0 s3, s7;
	s7 =	simm.s32 @!p0 $0x108  }
0x21: {  	s3 =	sadd.s32 s3, s9;
	s6 =	sadd.s32 @!p0 $0x88, s6;
	s7 =	simm.s32 @p2 $0x1082  }
0x22: {  	[simem:s7], [sflag:s8] =	dma.local @!p0 [hbm:s6], $0xF7A  }
0x23: {  	s9 =	sor.u32 $0xD0000000, s2;
	s6 =	simm.s32 $0x108;
	_ =	swait.ge @!p0 [sflag:s8], $0x0  }
0x24: {  	s3 =	sadd.s32 $0x88, s3;
	s6 =	simm.s32 @!p1 $0x1082;
	[sflag:s4] =	ssyncset.s32 $0xFFFFF086  }
0x25: {  	[simem:s6], [sflag:s4] =	dma.local [hbm:s3], $0xF7A  }
0x26: {  	[smem:$0x3F9C] =	sst s1;
	(tag) =	ssettag s2;
	_ =	strace s9  }
0x27: {  	s1 =	sld [smem:$0x3FAC]  }
0x28: {  	s2 =	sld [smem:$0x3FAD]  }
0x29: {  	s4 =	sld [smem:$0x3FAF]  }
0x2a: {  	p0 =	seq.s32 s5, $0x0;
	s5 =	sld [smem:$0x3FB0]  }
0x2b: {  	s6 =	sld [smem:$0x3FB1]  }
0x2c: {  	s7 =	sld [smem:$0x3FB2]  }
0x2d: {  	s3 =	simm.s32 $0x108;
	s8 =	sld [smem:$0x3FB3]  }
0x2e: {  	s3 =	simm.s32 @!p0 $0x1082;
	s9 =	sld [smem:$0x3FB4]  }
0x2f: {  	lr =	sadd.s32 s0, s3;
	s0 =	sld [smem:$0x3FAB]  }
0x30: {  	s3 =	sld [smem:$0x3FAE]  }
0x31: {  	[smem:$0x3FB7] =	sst s10  }
0x32: {  	s10 =	sld [smem:$0x3FB5];
	_ =	sdelay $0x3  }
0x33: {  	p0 =	seq.s32 s10, $0x1;
	s10 =	sld [smem:$0x3FB7];
	_ =	sdelay $0x3  }
0x34: {  	[smem:$0x3FB7] =	sst s10  }
0x35: {  	s10 =	sld [smem:$0x3FB6];
	_ =	sdelay $0x3  }
0x36: {  	p1 =	seq.s32 s10, $0x1;
	s10 =	sld [smem:$0x3FB7];
	_ =	sdelay $0x3  }
0x37: {  	[smem:$0x3FB7] =	sst s10  }
0x38: {  	s10 =	sld [smem:$0x3FB8]  }
0x39: {  	_ = 	snop;
	(pc) =	sbr.ind lr, $3  }
0x3a: {  	_ = 	snop  }
0x3b: {  	_ = 	snop  }
0x3c: {  	p2 =	seq.s32 s10, $0x1;
	s10 =	sld [smem:$0x3FB7]  }
0x3d: {  	_ =	shalt  }
0x3e: {  	_ =	shalt  }
0x3f: {  	_ =	shalt  }
0x40: {  	_ =	shalt  }
0x41: {  	_ =	shalt  }
0x42: {  	_ =	shalt  }
0x43: {  	_ =	shalt  }
0x44: {  	_ =	shalt  }
0x45: {  	_ =	shalt  }
0x46: {  	_ =	shalt  }
0x47: {  	_ =	shalt  }
0x48: {  	_ =	shalt  }
0x49: {  	_ =	shalt  }
0x4a: {  	_ =	shalt  }
0x4b: {  	_ =	shalt  }
0x4c: {  	_ =	shalt  }
0x4d: {  	_ =	shalt  }
0x4e: {  	_ =	shalt  }
0x4f: {  	_ =	shalt  }
0x50: {  	_ =	shalt  }
0x51: {  	_ =	shalt  }
0x52: {  	_ =	shalt  }
0x53: {  	_ =	shalt  }
0x54: {  	_ =	shalt  }
0x55: {  	_ =	shalt  }
0x56: {  	_ =	shalt  }
0x57: {  	_ =	shalt  }
0x58: {  	_ =	shalt  }
0x59: {  	_ =	shalt  }
0x5a: {  	_ =	shalt  }
0x5b: {  	_ =	shalt  }
0x5c: {  	_ =	shalt  }
0x5d: {  	_ =	shalt  }
0x5e: {  	_ =	shalt  }
0x5f: {  	_ =	shalt  }
0x60: {  	_ =	shalt  }
0x61: {  	_ =	shalt  }
0x62: {  	_ =	shalt  }
0x63: {  	_ =	shalt  }
0x64: {  	_ =	shalt  }
0x65: {  	_ =	shalt  }
0x66: {  	_ =	shalt  }
0x67: {  	_ =	shalt  }
0x68: {  	_ =	shalt  }
0x69: {  	_ =	shalt  }
0x6a: {  	_ =	shalt  }
0x6b: {  	_ =	shalt  }
0x6c: {  	_ =	shalt  }
0x6d: {  	_ =	shalt  }
0x6e: {  	_ =	shalt  }
0x6f: {  	_ =	shalt  }
0x70: {  	_ =	shalt  }
0x71: {  	_ =	shalt  }
0x72: {  	_ =	shalt  }
0x73: {  	_ =	shalt  }
0x74: {  	_ =	shalt  }
0x75: {  	_ =	shalt  }
0x76: {  	_ =	shalt  }
0x77: {  	_ =	shalt  }
0x78: {  	_ =	shalt  }
0x79: {  	_ =	shalt  }
0x7a: {  	_ =	shalt  }
0x7b: {  	_ =	shalt  }
0x7c: {  	_ =	shalt  }
0x7d: {  	_ =	shalt  }
0x7e: {  	_ =	shalt  }
0x7f: {  	_ =	shalt  }
0x80: {  	_ =	shalt  }
0x81: {  	_ =	shalt  }
0x82: {  	_ =	shalt  }
0x83: {  	_ =	shalt  }
0x84: {  	_ =	shalt  }
0x85: {  	_ =	shalt  }
0x86: {  	_ =	shalt  }
0x87: {  	_ =	shalt  }
.Lfunc_end0:
.L_simem_size_0:
called_computation_lowered:
.L_overlay_start_0:
0x88: {  	s2 =	sld [smem:$0x3FD9]  }
0x89: {  	s3 =	sld [smem:$0x3FFE];
	_ =	sdelay $0x1  }
0x8a: {  	s1 =	srdreg.scid  }
0x8b: {  	s0 =	sand.u32 $0x1, s1  }
0x8c: {  	s15 =	sshll.u32 s0, $0xA;
	s2 =	sadd.s32 s3, s2  }
0x8d: {  	s2 =	sadd.s32 s2, s15  }
0x8e: {  	[smem:$0x3FC3] =	sst s2  }
0x8f: {  	_ = 	snop  }
0x90: {  	s2 =	sld [smem:$0x3FC9]  }
0x91: {  	s16 =	sld [smem:$0x3FC8]  }
0x92: {  	s4 =	sld [smem:$0x3FD0]  }
0x93: {  	s5 =	sld [smem:$0x3FC7]  }
0x94: {  	s6 =	sld [smem:$0x3FC6]  }
0x95: {  	s8 =	simm.s32 $0xA;
	s9 =	simm.s32 $0x10;
	s7 =	sld [smem:$0x3FC5]  }
0x96: {  	[smem:s9], [sflag:s8] =	dma.local [hbm:s4], $0x1  }
0x97: {  	_ =	swait.eq [sflag:s8], $0x1  }
0x98: {  	[sflag:s8] =	ssyncset.done $0x0  }
0x99: {  	s17 =	sld [smem:$0x10];
	[sflag:s8] =	ssyncadd.s32 $0xFFFFFFFF  }
0x9a: {  	s18 =	sld [smem:$0x11];
	(tm) =	ssettm $0x1  }
0x9b: {  	s19 =	sld [smem:$0x3FFB];
	_ =	sdelay $0x3  }
0x9c: {  	_ =	strace s19  }
0x9d: {  	s9 =	sld [smem:$0x3FFC];
	_ =	sdelay $0x3  }
0x9e: {  	_ =	strace s9  }
0x9f: {  	s9 =	sld [smem:$0x3FFD];
	_ =	sdelay $0x3  }
0xa0: {  	_ =	strace s9  }
0xa1: {  	_ =	strace $0x8FFFFFFF  }
0xa2: {  	s20 =	sld [smem:$0x3FDB];
	_ =	sdelay $0x1  }
0xa3: {  	s10 =	simm.s32 $_scs_section_size  }
0xa4: {  	s11 =	simm.s32 $_size__tile_overlayer_lowered;
	s12 =	simm.s32 $_tile_overlayer_lowered  }
0xa5: {  	s23 =	simm.s32 $0x1BFF;
	s22 =	sshll.u32 s12, $0x1;
	s9 =	sadd.s32 s10, s20  }
0xa6: {  	s13 =	simm.s32 $0x0;
	s21 =	sshll.u32 s11, $0x1;
	s11 =	sadd.s32 s22, s9  }
0xa7: {  	[timem:s13], [sflag:s23] =	dma.local [hbm:s11], s21  }
0xa8: {  	_ =	swait.ge [sflag:s23], s21  }
0xa9: {  	s10 =	ssub.s32 $0x0, s21;
	[sflag:s23] =	ssyncset.done $0x0  }
0xaa: {  	[sflag:s23] =	ssyncadd.s32 s10;
	_ =	sdelay $0x1  }
0xab: {  	s24 =	simm.s32 $0x1B8B  }
0xac: {  	_ =	swait.ge [sflag:s24], $0x1  }
0xad: {  	[sflag:s24] =	ssyncset.done $0x0  }
0xae: {  	s25 =	simm.s32 $0x1B8E;
	[sflag:s24] =	ssyncadd.s32 $0xFFFFFFFF  }
0xaf: {  	s26 =	simm.s32 $execute0_lowered;
	[smem:$0x3FD2] =	sst s25  }
0xb0: {  	s10 =	sshll.u32 s26, $0x1;
	_ =	strace $0x80000046;
	[dreg:$0x1] =	wrdreg $0xFFFFFFFF  }
0xb1: {  	s28 =	simm.s32 $_size_execute0_lowered;
	s9 =	sadd.s32 s9, s10;
	[dreg:$0x0] =	wrdreg $0x0  }
0xb2: {  	s10 =	sshll.u32 s28, $0x1;
	[dreg:$0x2] =	wrdreg s9  }
0xb3: {  	[dreg:$0x3] =	wrdreg s10  }
0xb4: {  	[dreg:$0x4] =	wrdreg $0xC0  }
0xb5: {  	_ =	task [dreg:s13], $0x5FFFF  }
0xb6: {  	[dreg:$0x1] =	wrdreg $0xFFFFFFFF  }
0xb7: {  	[dreg:$0x0] =	wrdreg $0x60  }
0xb8: {  	[dreg:$0x2] =	wrdreg s2  }
0xb9: {  	[dreg:$0x3] =	wrdreg s16  }
0xba: {  	[dreg:$0x4] =	wrdreg s5  }
0xbb: {  	[dreg:$0x5] =	wrdreg s6  }
0xbc: {  	[dreg:$0x6] =	wrdreg s7  }
0xbd: {  	[dreg:$0x7] =	wrdreg s17  }
0xbe: {  	[dreg:$0x8] =	wrdreg s18  }
0xbf: {  	[dreg:$0x9] =	wrdreg $0x9  }
0xc0: {  	_ =	task.clear_ibuf [dreg:s13], $0xAFFFF;
	_ =	strace $0x90000046  }
0xc1: {  	s29 =	simm.s32 $0x9;
	_ =	strace $0x80000048  }
0xc2: {  	_ =	swait.ge [sflag:s29], $0x1  }
0xc3: {  	[sflag:s29] =	ssyncadd.s32 $0xFFFFFFFF  }
0xc4: {  	_ =	strace $0x90000048  }
0xc5: {  	_ =	sfence  }
0xc6: {  	s30 =	sld [smem:$0x0];
	_ =	sdelay $0x2  }
0xc7: {  	s31 =	sshll.u32 s1, $0xD;
	s1 =	sshrl.u32 s1, $0x2  }
0xc8: {  	s3 =	sand.u32 $0x4000, s31;
	s1 =	sadd.s32 s1, s30  }
0xc9: {  	s0 =	sor.u32 s3, s0;
	s1 =	sshll.u32 s1, $0x11  }
0xca: {  	s0 =	sor.u32 s1, s0  }
0xcb: {  	s0 =	sadd.s32 $0x8F2B, s0  }
0xcc: {  	[sflag:s0] =	ssyncadd.remote.s32 $0x1  }
0xcd: {  	_ =	sfence.sel $0xFFFF  }
0xce: {  	[dreg:$0x0] =	wrdreg $0xFFFFFFFF;
	(pc) =	sbr.abs _section_cstart, $3  }
0xcf: {  	[dreg:$0x1] =	wrdreg $0xFFFFFFFF  }
0xd0: {  	_ =	task.clear_ibuf [dreg:s13], $0x2FFFF;
	_ =	strace $0x9FFFFFFF  }
0xd1: {  	(tm) =	ssettm $0x7FFFFFFF  }
tec
execute0_lowered:
.L_overlay_start_1:
0x0: {  	(tag) =	ssettag $0x1  }
0x1: {  	s0 =	rddreg [dreg:$0x0]  }
0x2: {  	s9 =	rddreg [dreg:$0x1]  }
0x3: {  	s1 =	rddreg [dreg:$0x2]  }
0x4: {  	s2 =	rddreg [dreg:$0x3]  }
0x5: {  	s3 =	rddreg [dreg:$0x4]  }
0x6: {  	s4 =	srdreg.scid;
	s6 =	rddreg [dreg:$0x5]  }
0x7: {  	s10 =	rddreg [dreg:$0x6];
	s5 =	stileid.u32  }
0x8: {  	s7 =	simm.s32 $0x0;
	s15 =	simm.s32 $0x4600;
	s16 =	simm.s32 $0x1  }
0x9: {  	s17 =	simm.s32 $0x4000;
	s19 =	simm.s32 $0x3;
	s20 =	simm.s32 $0x4  }
0xa: {  	s22 =	simm.s32 $0x6;
	s23 =	simm.s32 $0x0;
	s8 =	sand.u32 $0x1, s4  }
0xb: {  	[smem:$0x7FF] =	sst s7;
	s30 =	smul.u32 $0x140, s5;
	s11 =	sshll.u32 s8, $0x4  }
0xc: {  	s12 =	ssub.s32 $0x2, s8;
	s14 =	smul.u32 $0x1400, s8;
	s11 =	sor.u32 s5, s11  }
0xd: {  	_ =	strace $0x80000047;
	s13 =	sshrl.u32 s12, $0x1;
	s11 =	smul.u32 $0x140, s11  }
.Ltmp0:
0xe: {  	s8 =	sadd.s32 $0x200, s1;
	s28 =	ssub.s32 s12, s13;
	(pc) =	sbr.rel .LBB2_1-.Ltmp0, $4  }
0xf: {  	s31 =	sadd.s32 s30, s14;
	s13 =	simm.s32 $0x1000;
	s14 =	simm.s32 $0x2000  }
0x10: {  	s12 =	smin.u32 s31, $0x25D0;
	s18 =	smin.u32 s11, $0x25D0;
	s11 =	smax.u32 s28, $0x1  }
0x11: {  	s29 =	sshrl.u32 s18, $0x3;
	s21 =	sadd.s32 $0x140, s18;
	v0 =	vmov s18;
	s18 =	simm.s32 $0x2  }
0x12: {  	v2 =	vimm.s32 $0xFFFFFFFF;
	v3 =	vlaneseq.u32;
	s9 =	sadd.s32 s9, s29;
	s10 =	sadd.s32 s10, s29;
	v1 =	vmov s21;
	s21 =	simm.s32 $0x5  }
.LBB2_42:
0x13: {  	[sflag:s22] =	ssyncadd.s32 $0xFFFFF000  }
.LBB2_43:
0x14: {  	s23 =	sadd.s32 $0x1, s23  }
0x15: {  	p0 =	sne.s32 s23, s11  }
.Ltmp1:
0x16: {  	_ = 	snop;
	(pc) =	sbr.rel @!p0 .LBB2_44-.Ltmp1, $4  }
0x17: {  	_ = 	snop  }
0x18: {  	_ =	swait.ge [sflag:s19], $0x140  }
0x19: {  	[sflag:s19] =	ssyncset.done $0x0  }
0x1a: {  	[sflag:s19] =	ssyncadd.s32 $0xFFFFFEC0  }
.LBB2_1:
0x1b: {  	[tilespmem:s7], [sflag:$0x1] =	stream.linear.gather [hbm4b:s1+s7], $0x1000, $0x38;
	[tilespmem:$0x1A780] =	vst v63  }
0x1c: {  	_ = 	snop  }
0x1d: {  	[tilespmem:s13], [sflag:$0x2] =	stream.linear.gather [hbm4b:s8+s7], $0x1000, $0x38;
	[tilespmem:$0x1A780] =	vst v63  }
0x1e: {  	_ = 	snop  }
0x1f: {  	[tilespmem:s14], [sflag:$0x3] =	stream.linear.gather [hbm4b:s3+s7], $0x2000, $0x38;
	[tilespmem:$0x1A780] =	vst v63  }
0x20: {  	_ = 	snop  }
0x21: {  	[tilespmem:s15], [sflag:$0x3] =	stream.linear.gather [hbm4b:s9+s7], $0x140, $0x38;
	[tilespmem:$0x1A780] =	vst v63  }
0x22: {  	[tilespmem:$0x4000] =	vst v2  }
0x23: {  	[tilespmem:$0x4010] =	vst v2  }
0x24: {  	[tilespmem:$0x4020] =	vst v2  }
0x25: {  	[tilespmem:$0x4030] =	vst v2  }
0x26: {  	[tilespmem:$0x4040] =	vst v2  }
0x27: {  	[tilespmem:$0x4050] =	vst v2  }
0x28: {  	[tilespmem:$0x4060] =	vst v2  }
0x29: {  	[tilespmem:$0x4070] =	vst v2  }
0x2a: {  	[tilespmem:$0x4080] =	vst v2  }
0x2b: {  	[tilespmem:$0x4090] =	vst v2  }
0x2c: {  	[tilespmem:$0x40A0] =	vst v2  }
0x2d: {  	[tilespmem:$0x40B0] =	vst v2  }
0x2e: {  	[tilespmem:$0x40C0] =	vst v2  }
0x2f: {  	[tilespmem:$0x40D0] =	vst v2  }
0x30: {  	[tilespmem:$0x40E0] =	vst v2  }
0x31: {  	[tilespmem:$0x40F0] =	vst v2  }
0x32: {  	[tilespmem:$0x4100] =	vst v2  }
0x33: {  	[tilespmem:$0x4110] =	vst v2  }
0x34: {  	[tilespmem:$0x4120] =	vst v2  }
0x35: {  	[tilespmem:$0x4130] =	vst v2  }
0x36: {  	_ =	swait.ge [sflag:s16], $0x1000  }
0x37: {  	[sflag:s16] =	ssyncset.done $0x0  }
0x38: {  	s25 =	simm.s32 $0x40;
	[sflag:s16] =	ssyncadd.s32 $0xFFFFF000  }
0x39: {  	v5 =	vld [tilespmem:s25+$0xFFFFFFE0];
	_ =	sdelay $0x4  }
0x3a: {  	v16 =	vld [tilespmem:s25+$0xFFFFFFC0];
	(xrf1) =	vunique.msk.u32 $0xffff, v5  }
0x3b: {  	v11 =	vld [tilespmem:s25+$0xFFFFFFD0]  }
0x3c: {  	v17 =	vld [tilespmem:s25+$0xFFFFFFF0]  }
0x3d: {  	v12 =	vld [tilespmem:s25+$0x0]  }
0x3e: {  	v18 =	vld [tilespmem:s25+$0x20]  }
0x3f: {  	v13 =	vld [tilespmem:s25+$0x10];
	_ =	sdelay $0x1  }
0x40: {  	s24 =	simm.s32 $0x0;
	v4 =	vld [tilespmem:s25+$0x30]  }
0x41: {  	v6 =	vor.u32 s24, v3;
	vm2 =	vge.s32 v5, v0;
	vm4 =	vge.s32 v16, v0;
	(xrf1) =	vunique.msk.u32 $0xffff, v16  }
0x42: {  	v9 =	vsub.s32 v5, v0;
	vm5 =	vlt.s32 v5, v1;
	v5 =	vsub.s32 v18, v0;
	(xrf1) =	vunique.msk.u32 $0xffff, v11  }
0x43: {  	v10 =	vsub.s32 v17, v0;
	v8 =	vsub.s32 v12, v0;
	v7 =	vsub.s32 v13, v0;
	(xrf1) =	vunique.msk.u32 $0xffff, v17  }
0x44: {  	v15 =	vsub.s32 v16, v0;
	v14 =	vsub.s32 v11, v0;
	vm7 =	vlt.s32 v17, v1;
	(xrf1) =	vunique.msk.u32 $0xffff, v12  }
0x45: {  	vm3 =	vlt.s32 v13, v1;
	vm15 =	vlt.s32 v18, v1;
	vm13 =	vlt.s32 v4, v1;
	(xrf1) =	vunique.msk.u32 $0xffff, v13  }
0x46: {  	vm11 =	vlt.s32 v11, v1;
	vm10 =	vge.s32 v17, v0;
	vm9 =	vlt.s32 v12, v1;
	(xrf1) =	vunique.msk.u32 $0xffff, v18  }
0x47: {  	s26 =	simm.s32 $0xF0;
	s28 =	simm.s32 $0x10;
	s24 =	simm.s32 $0x70;
	vm12 =	vlt.s32 v16, v1;
	vm8 =	vge.s32 v18, v0;
	vm6 =	vge.s32 v4, v0;
	(xrf1) =	vunique.msk.u32 $0xffff, v4;
	_, v16, vm14 =	vpop (xrf1)  }
.LBB2_2:
0x48: {  	_ =	sdelay $0x3  }
0x49: {  	v16 =	vimm.s32 $0x0  }
0x4a: {  	v16 =	vsel vm15, $0xFFFFFFFF, v16  }
0x4b: {  	[tilespmem:$0x1FFE0] =	vst v16;
	v16 =	vimm.s32 $0x0  }
0x4c: {  	vm15 =	vge.s32 v11, v0;
	v16 =	vsel vm13, $0xFFFFFFFF, v16;
	_, v11, vm1 =	vpop (xrf1)  }
0x4d: {  	vm0 =	vge.s32 v12, v0;
	vm1 =	vmand vm4, vm1;
	_, v12, vm4 =	vpop (xrf1)  }
0x4e: {  	vm13 =	vge.s32 v13, v0;
	vm1 =	vmand vm12, vm1;
	_, v13, vm12 =	vpop (xrf1)  }
0x4f: {  	vm2 =	vmand vm2, vm14;
	v13 =	vnsel vm1, $0x0, v15  }
0x50: {  	vm2 =	vmand vm5, vm2;
	[tilespmem:$0x1FFF0] =	vst v16;
	vm5 =	vmand vm10, vm12;
	_, v16, vm10 =	vpop (xrf1)  }
0x51: {  	vm5 =	vmand vm7, vm5;
	_, v16, vm7 =	vpop (xrf1)  }
0x52: {  	vm7 =	vmand vm13, vm7  }
0x53: {  	vm3 =	vmand vm3, vm7  }
0x54: {  	[tilespmem:v13+s17+$0x0] =	vst.idx.msk vm1, v6;
	v6 =	vnsel vm3, $0x0, v7;
	v7 =	vld [tilespmem:$0x1FFE0];
	_ =	sdelay $0x2  }
0x55: {  	vm4 =	vmand vm15, vm4  }
0x56: {  	vm4 =	vmand vm11, vm4  }
0x57: {  	v14 =	vnsel vm4, $0x0, v14;
	vm1 =	vnez.u8 v7;
	v7 =	vld [tilespmem:$0x1FFF0];
	_ =	sdelay $0x1  }
0x58: {  	v9 =	vnsel vm2, $0x0, v9;
	vm0 =	vmand vm0, vm10  }
0x59: {  	v4 =	vsub.s32 v4, v0;
	v10 =	vnsel vm5, $0x0, v10;
	vm0 =	vmand vm9, vm0;
	_, v16, vm9 =	vpop (xrf1)  }
0x5a: {  	v11 =	vor.u32 s28, v3;
	v8 =	vnsel vm0, $0x0, v8;
	vm7 =	vmand vm8, vm9;
	_, v16, vm8 =	vpop (xrf1)  }
0x5b: {  	s29 =	sadd.s32 $0xFFFFFFB0, s24;
	vm6 =	vmand vm6, vm8;
	[tilespmem:v14+s17+$0x0] =	vst.idx.msk vm4, v11;
	vm1 =	vmand vm1, vm7;
	vm4 =	vnez.u8 v7  }
0x5c: {  	s30 =	sadd.s32 $0xFFFFFFC0, s24;
	v15 =	vor.u32 s29, v3;
	v5 =	vnsel vm1, $0x0, v5;
	vm4 =	vmand vm4, vm6  }
0x5d: {  	s31 =	sadd.s32 $0xFFFFFFD0, s24;
	v12 =	vor.u32 s30, v3;
	[tilespmem:v9+s17+$0x0] =	vst.idx.msk vm2, v15;
	v4 =	vnsel vm4, $0x0, v4  }
0x5e: {  	s4 =	sadd.s32 $0xFFFFFFE0, s24;
	[tilespmem:v10+s17+$0x0] =	vst.idx.msk vm5, v12;
	v7 =	vor.u32 s31, v3  }
0x5f: {  	s31 =	sadd.s32 $0xFFFFFFF0, s24;
	[tilespmem:v8+s17+$0x0] =	vst.idx.msk vm0, v7;
	v7 =	vor.u32 s4, v3  }
0x60: {  	[tilespmem:v6+s17+$0x0] =	vst.idx.msk vm3, v7;
	v6 =	vor.u32 s31, v3  }
0x61: {  	[tilespmem:v5+s17+$0x0] =	vst.idx.msk vm1, v6;
	v5 =	vor.u32 s24, v3  }
0x62: {  	s25 =	sadd.s32 $0x80, s25;
	[tilespmem:v4+s17+$0x0] =	vst.idx.msk vm4, v5  }
0x63: {  	v5 =	vld [tilespmem:s25+$0xFFFFFFE0];
	_ =	sdelay $0x4  }
0x64: {  	v16 =	vld [tilespmem:s25+$0xFFFFFFC0];
	(xrf1) =	vunique.msk.u32 $0xffff, v5  }
0x65: {  	v11 =	vld [tilespmem:s25+$0xFFFFFFD0]  }
0x66: {  	v17 =	vld [tilespmem:s25+$0xFFFFFFF0]  }
0x67: {  	v12 =	vld [tilespmem:s25+$0x0]  }
0x68: {  	v18 =	vld [tilespmem:s25+$0x20]  }
0x69: {  	s28 =	smov.u32 s26;
	v13 =	vld [tilespmem:s25+$0x10]  }
0x6a: {  	s24 =	smov.u32 s28  }
0x6b: {  	s28 =	sadd.s32 $0xFFFFFF90, s24;
	v4 =	vld [tilespmem:s25+$0x30]  }
0x6c: {  	v6 =	vor.u32 s28, v3;
	vm2 =	vge.s32 v5, v0;
	vm4 =	vge.s32 v16, v0;
	(xrf1) =	vunique.msk.u32 $0xffff, v16  }
0x6d: {  	p0 =	sne.s32 s26, $0xFF0;
	v9 =	vsub.s32 v5, v0;
	vm5 =	vlt.s32 v5, v1;
	v5 =	vsub.s32 v18, v0;
	(xrf1) =	vunique.msk.u32 $0xffff, v11  }
.Ltmp2:
0x6e: {  	v10 =	vsub.s32 v17, v0;
	v8 =	vsub.s32 v12, v0;
	v7 =	vsub.s32 v13, v0;
	(xrf1) =	vunique.msk.u32 $0xffff, v17;
	(pc) =	sbr.rel @p0 .LBB2_2-.Ltmp2, $4  }
0x6f: {  	v15 =	vsub.s32 v16, v0;
	v14 =	vsub.s32 v11, v0;
	vm7 =	vlt.s32 v17, v1;
	(xrf1) =	vunique.msk.u32 $0xffff, v12  }
0x70: {  	vm3 =	vlt.s32 v13, v1;
	vm15 =	vlt.s32 v18, v1;
	vm13 =	vlt.s32 v4, v1;
	(xrf1) =	vunique.msk.u32 $0xffff, v13  }
0x71: {  	vm11 =	vlt.s32 v11, v1;
	vm10 =	vge.s32 v17, v0;
	vm9 =	vlt.s32 v12, v1;
	(xrf1) =	vunique.msk.u32 $0xffff, v18  }
0x72: {  	s26 =	sadd.s32 $0x80, s26;
	s28 =	sadd.s32 $0xFFFFFFA0, s24;
	vm12 =	vlt.s32 v16, v1;
	vm8 =	vge.s32 v18, v0;
	vm6 =	vge.s32 v4, v0;
	(xrf1) =	vunique.msk.u32 $0xffff, v4;
	_, v16, vm14 =	vpop (xrf1)  }
0x73: {  	_ =	sdelay $0x6  }
0x74: {  	vm1 =	vge.s32 v11, v0;
	vm2 =	vmand vm2, vm14;
	_, v16, vm0 =	vpop (xrf1)  }
0x75: {  	v4 =	vsub.s32 v4, v0;
	vm2 =	vmand vm5, vm2;
	vm0 =	vmand vm4, vm0;
	_, v11, vm4 =	vpop (xrf1)  }
0x76: {  	vm0 =	vmand vm12, vm0;
	vm1 =	vmand vm1, vm4;
	vm4 =	vge.s32 v12, v0;
	_, v12, vm5 =	vpop (xrf1)  }
0x77: {  	v9 =	vnsel vm2, $0x0, v9;
	vm1 =	vmand vm11, vm1;
	v12 =	vnsel vm0, $0x0, v15  }
0x78: {  	v11 =	vor.u32 s28, v3;
	vm5 =	vmand vm10, vm5;
	_, v15, vm10 =	vpop (xrf1);
	v14 =	vnsel vm1, $0x0, v14  }
0x79: {  	vm11 =	vge.s32 v13, v0;
	vm5 =	vmand vm7, vm5;
	vm4 =	vmand vm4, vm10;
	_, v15, vm7 =	vpop (xrf1)  }
0x7a: {  	v10 =	vnsel vm5, $0x0, v10;
	vm4 =	vmand vm9, vm4;
	vm7 =	vmand vm11, vm7;
	_, v15, vm9 =	vpop (xrf1)  }
0x7b: {  	v8 =	vnsel vm4, $0x0, v8;
	vm3 =	vmand vm3, vm7;
	vm7 =	vmand vm8, vm9;
	_, v15, vm8 =	vpop (xrf1)  }
0x7c: {  	s25 =	sadd.s32 $0xFFFFFFB0, s24;
	vm6 =	vmand vm6, vm8;
	[tilespmem:v12+s17+$0x0] =	vst.idx.msk vm0, v6;
	v6 =	vnsel vm3, $0x0, v7;
	vm0 =	vmand vm15, vm7  }
0x7d: {  	s26 =	sadd.s32 $0xFFFFFFC0, s24;
	v13 =	vor.u32 s25, v3;
	[tilespmem:v14+s17+$0x0] =	vst.idx.msk vm1, v11;
	v5 =	vnsel vm0, $0x0, v5;
	vm1 =	vmand vm13, vm6  }
0x7e: {  	s29 =	sadd.s32 $0xFFFFFFD0, s24;
	v7 =	vor.u32 s26, v3;
	[tilespmem:v9+s17+$0x0] =	vst.idx.msk vm2, v13;
	v4 =	vnsel vm1, $0x0, v4  }
0x7f: {  	s26 =	sadd.s32 $0xFFFFFFE0, s24;
	[tilespmem:v10+s17+$0x0] =	vst.idx.msk vm5, v7;
	v7 =	vor.u32 s29, v3  }
0x80: {  	s30 =	sadd.s32 $0xFFFFFFF0, s24;
	[tilespmem:v8+s17+$0x0] =	vst.idx.msk vm4, v7;
	v7 =	vor.u32 s26, v3  }
0x81: {  	[tilespmem:v6+s17+$0x0] =	vst.idx.msk vm3, v7;
	v6 =	vor.u32 s30, v3  }
0x82: {  	[tilespmem:v5+s17+$0x0] =	vst.idx.msk vm0, v6;
	v5 =	vor.u32 s24, v3  }
0x83: {  	[tilespmem:v4+s17+$0x0] =	vst.idx.msk vm1, v5  }
0x84: {  	_ =	swait.ge [sflag:s18], $0x1000  }
0x85: {  	[sflag:s18] =	ssyncset.done $0x0  }
0x86: {  	s24 =	simm.s32 $0x1070;
	[sflag:s18] =	ssyncadd.s32 $0xFFFFF000  }
0x87: {  	v5 =	vld [tilespmem:s24+$0xFFFFFFB0];
	_ =	sdelay $0x4  }
0x88: {  	v16 =	vld [tilespmem:s24+$0xFFFFFF90];
	(xrf1) =	vunique.msk.u32 $0xffff, v5  }
0x89: {  	v13 =	vld [tilespmem:s24+$0xFFFFFFA0]  }
0x8a: {  	v17 =	vld [tilespmem:s24+$0xFFFFFFC0]  }
0x8b: {  	v11 =	vld [tilespmem:s24+$0xFFFFFFD0]  }
0x8c: {  	v18 =	vld [tilespmem:s24+$0xFFFFFFF0]  }
0x8d: {  	v12 =	vld [tilespmem:s24+$0xFFFFFFE0];
	_ =	sdelay $0x1  }
0x8e: {  	s31 =	simm.s32 $0x1000;
	v4 =	vld [tilespmem:s24+$0x0]  }
0x8f: {  	v6 =	vor.u32 s31, v3;
	vm2 =	vge.s32 v5, v0;
	vm4 =	vge.s32 v16, v0;
	(xrf1) =	vunique.msk.u32 $0xffff, v16  }
0x90: {  	v9 =	vsub.s32 v5, v0;
	vm5 =	vlt.s32 v5, v1;
	v5 =	vsub.s32 v18, v0;
	(xrf1) =	vunique.msk.u32 $0xffff, v13  }
0x91: {  	v10 =	vsub.s32 v17, v0;
	v8 =	vsub.s32 v11, v0;
	v7 =	vsub.s32 v12, v0;
	(xrf1) =	vunique.msk.u32 $0xffff, v17  }
0x92: {  	v15 =	vsub.s32 v16, v0;
	v14 =	vsub.s32 v13, v0;
	vm7 =	vlt.s32 v17, v1;
	(xrf1) =	vunique.msk.u32 $0xffff, v11  }
0x93: {  	vm3 =	vlt.s32 v12, v1;
	vm15 =	vlt.s32 v18, v1;
	vm13 =	vlt.s32 v4, v1;
	(xrf1) =	vunique.msk.u32 $0xffff, v12  }
0x94: {  	vm11 =	vlt.s32 v13, v1;
	vm10 =	vge.s32 v17, v0;
	vm9 =	vlt.s32 v11, v1;
	(xrf1) =	vunique.msk.u32 $0xffff, v18  }
0x95: {  	s28 =	simm.s32 $0x1010;
	s25 =	simm.s32 $0x10F0;
	s26 =	simm.s32 $0x1070;
	vm12 =	vlt.s32 v16, v1;
	vm8 =	vge.s32 v18, v0;
	vm6 =	vge.s32 v4, v0;
	(xrf1) =	vunique.msk.u32 $0xffff, v4;
	_, v16, vm14 =	vpop (xrf1)  }
.LBB2_4:
0x96: {  	_ =	sdelay $0x3  }
0x97: {  	v16 =	vimm.s32 $0x0  }
0x98: {  	v16 =	vsel vm15, $0xFFFFFFFF, v16  }
0x99: {  	[tilespmem:$0x1FFC0] =	vst v16;
	v16 =	vimm.s32 $0x0  }
0x9a: {  	vm0 =	vge.s32 v11, v0;
	v16 =	vsel vm13, $0xFFFFFFFF, v16;
	_, v11, vm1 =	vpop (xrf1)  }
0x9b: {  	vm13 =	vge.s32 v12, v0;
	vm1 =	vmand vm4, vm1;
	_, v12, vm4 =	vpop (xrf1)  }
0x9c: {  	vm15 =	vge.s32 v13, v0;
	vm1 =	vmand vm12, vm1;
	_, v13, vm12 =	vpop (xrf1)  }
0x9d: {  	vm2 =	vmand vm2, vm14;
	v13 =	vnsel vm1, $0x0, v15  }
0x9e: {  	vm2 =	vmand vm5, vm2;
	[tilespmem:$0x1FFD0] =	vst v16;
	vm5 =	vmand vm10, vm12;
	_, v16, vm10 =	vpop (xrf1)  }
0x9f: {  	vm5 =	vmand vm7, vm5;
	_, v16, vm7 =	vpop (xrf1)  }
0xa0: {  	vm7 =	vmand vm13, vm7  }
0xa1: {  	vm3 =	vmand vm3, vm7  }
0xa2: {  	[tilespmem:v13+s17+$0x0] =	vst.idx.msk vm1, v6;
	v6 =	vnsel vm3, $0x0, v7;
	v7 =	vld [tilespmem:$0x1FFC0];
	_ =	sdelay $0x2  }
0xa3: {  	vm4 =	vmand vm15, vm4  }
0xa4: {  	vm4 =	vmand vm11, vm4  }
0xa5: {  	v14 =	vnsel vm4, $0x0, v14;
	vm1 =	vnez.u8 v7;
	v7 =	vld [tilespmem:$0x1FFD0];
	_ =	sdelay $0x1  }
0xa6: {  	v9 =	vnsel vm2, $0x0, v9;
	vm0 =	vmand vm0, vm10  }
0xa7: {  	v4 =	vsub.s32 v4, v0;
	v10 =	vnsel vm5, $0x0, v10;
	vm0 =	vmand vm9, vm0;
	_, v16, vm9 =	vpop (xrf1)  }
0xa8: {  	v11 =	vor.u32 s28, v3;
	v8 =	vnsel vm0, $0x0, v8;
	vm7 =	vmand vm8, vm9;
	_, v16, vm8 =	vpop (xrf1)  }
0xa9: {  	s29 =	sadd.s32 $0xFFFFFFB0, s24;
	vm6 =	vmand vm6, vm8;
	[tilespmem:v14+s17+$0x0] =	vst.idx.msk vm4, v11;
	vm1 =	vmand vm1, vm7;
	vm4 =	vnez.u8 v7  }
0xaa: {  	s30 =	sadd.s32 $0xFFFFFFC0, s24;
	v15 =	vor.u32 s29, v3;
	v5 =	vnsel vm1, $0x0, v5;
	vm4 =	vmand vm4, vm6  }
0xab: {  	s31 =	sadd.s32 $0xFFFFFFD0, s24;
	v12 =	vor.u32 s30, v3;
	[tilespmem:v9+s17+$0x0] =	vst.idx.msk vm2, v15;
	v4 =	vnsel vm4, $0x0, v4  }
0xac: {  	s4 =	sadd.s32 $0xFFFFFFE0, s24;
	[tilespmem:v10+s17+$0x0] =	vst.idx.msk vm5, v12;
	v7 =	vor.u32 s31, v3  }
0xad: {  	s31 =	sadd.s32 $0xFFFFFFF0, s24;
	[tilespmem:v8+s17+$0x0] =	vst.idx.msk vm0, v7;
	v7 =	vor.u32 s4, v3  }
0xae: {  	[tilespmem:v6+s17+$0x0] =	vst.idx.msk vm3, v7;
	v6 =	vor.u32 s31, v3  }
0xaf: {  	[tilespmem:v5+s17+$0x0] =	vst.idx.msk vm1, v6;
	v5 =	vor.u32 s24, v3  }
0xb0: {  	s26 =	sadd.s32 $0x80, s26;
	[tilespmem:v4+s17+$0x0] =	vst.idx.msk vm4, v5  }
0xb1: {  	v5 =	vld [tilespmem:s26+$0xFFFFFFB0];
	_ =	sdelay $0x4  }
0xb2: {  	v16 =	vld [tilespmem:s26+$0xFFFFFF90];
	(xrf1) =	vunique.msk.u32 $0xffff, v5  }
0xb3: {  	v13 =	vld [tilespmem:s26+$0xFFFFFFA0]  }
0xb4: {  	v17 =	vld [tilespmem:s26+$0xFFFFFFC0]  }
0xb5: {  	v11 =	vld [tilespmem:s26+$0xFFFFFFD0]  }
0xb6: {  	v18 =	vld [tilespmem:s26+$0xFFFFFFF0]  }
0xb7: {  	s28 =	smov.u32 s25;
	v12 =	vld [tilespmem:s26+$0xFFFFFFE0]  }
0xb8: {  	s24 =	smov.u32 s28  }
0xb9: {  	s28 =	sadd.s32 $0xFFFFFF90, s24;
	v4 =	vld [tilespmem:s26+$0x0]  }
0xba: {  	v6 =	vor.u32 s28, v3;
	vm2 =	vge.s32 v5, v0;
	vm4 =	vge.s32 v16, v0;
	(xrf1) =	vunique.msk.u32 $0xffff, v16  }
0xbb: {  	p0 =	sne.s32 s25, $0x1FF0;
	v9 =	vsub.s32 v5, v0;
	vm5 =	vlt.s32 v5, v1;
	v5 =	vsub.s32 v18, v0;
	(xrf1) =	vunique.msk.u32 $0xffff, v13  }
.Ltmp3:
0xbc: {  	v10 =	vsub.s32 v17, v0;
	v8 =	vsub.s32 v11, v0;
	v7 =	vsub.s32 v12, v0;
	(xrf1) =	vunique.msk.u32 $0xffff, v17;
	(pc) =	sbr.rel @p0 .LBB2_4-.Ltmp3, $4  }
0xbd: {  	v15 =	vsub.s32 v16, v0;
	v14 =	vsub.s32 v13, v0;
	vm7 =	vlt.s32 v17, v1;
	(xrf1) =	vunique.msk.u32 $0xffff, v11  }
0xbe: {  	vm3 =	vlt.s32 v12, v1;
	vm15 =	vlt.s32 v18, v1;
	vm13 =	vlt.s32 v4, v1;
	(xrf1) =	vunique.msk.u32 $0xffff, v12  }
0xbf: {  	vm11 =	vlt.s32 v13, v1;
	vm10 =	vge.s32 v17, v0;
	vm9 =	vlt.s32 v11, v1;
	(xrf1) =	vunique.msk.u32 $0xffff, v18  }
0xc0: {  	s25 =	sadd.s32 $0x80, s25;
	s28 =	sadd.s32 $0xFFFFFFA0, s24;
	vm12 =	vlt.s32 v16, v1;
	vm8 =	vge.s32 v18, v0;
	vm6 =	vge.s32 v4, v0;
	(xrf1) =	vunique.msk.u32 $0xffff, v4;
	_, v16, vm14 =	vpop (xrf1)  }
0xc1: {  	_ =	sdelay $0x6  }
0xc2: {  	_, v16, vm0 =	vpop (xrf1)  }
0xc3: {  	vm1 =	vge.s32 v13, v0;
	vm0 =	vmand vm4, vm0;
	_, v56, vm4 =	vpop (xrf1)  }
0xc4: {  	vm2 =	vmand vm2, vm14;
	v4 =	vsub.s32 v4, v0;
	vm1 =	vmand vm1, vm4  }
0xc5: {  	vm2 =	vmand vm5, vm2;
	vm0 =	vmand vm12, vm0;
	_, v57, vm14 =	vpop (xrf1);
	vm1 =	vmand vm11, vm1  }
0xc6: {  	vm4 =	vmand vm10, vm14;
	vm10 =	vge.s32 v11, v0;
	v58 =	vnsel vm0, $0x0, v15;
	_, v59, vm12 =	vpop (xrf1)  }
0xc7: {  	vm14 =	vge.s32 v12, v0;
	v60 =	vnsel vm1, $0x0, v14;
	vm5 =	vmand vm10, vm12;
	_, v61, vm12 =	vpop (xrf1)  }
0xc8: {  	v9 =	vnsel vm2, $0x0, v9;
	vm4 =	vmand vm7, vm4;
	vm7 =	vmand vm14, vm12;
	_, v62, vm14 =	vpop (xrf1)  }
0xc9: {  	vm5 =	vmand vm9, vm5;
	v10 =	vnsel vm4, $0x0, v10;
	vm12 =	vmand vm8, vm14  }
0xca: {  	vm3 =	vmand vm3, vm7;
	_, v63, vm14 =	vpop (xrf1);
	v8 =	vnsel vm5, $0x0, v8;
	vm7 =	vmand vm15, vm12  }
0xcb: {  	s25 =	sadd.s32 $0xFFFFFFB0, s24;
	vm6 =	vmand vm6, vm14;
	v7 =	vnsel vm3, $0x0, v7;
	[tilespmem:v58+s17+$0x0] =	vst.idx.msk vm0, v6;
	v6 =	vor.u32 s28, v3  }
0xcc: {  	s26 =	sadd.s32 $0xFFFFFFC0, s24;
	vm0 =	vmand vm13, vm6;
	v5 =	vnsel vm7, $0x0, v5;
	[tilespmem:v60+s17+$0x0] =	vst.idx.msk vm1, v6;
	v6 =	vor.u32 s25, v3  }
0xcd: {  	s29 =	sadd.s32 $0xFFFFFFD0, s24;
	v4 =	vnsel vm0, $0x0, v4;
	[tilespmem:v9+s17+$0x0] =	vst.idx.msk vm2, v6;
	v6 =	vor.u32 s26, v3  }
0xce: {  	s30 =	sadd.s32 $0xFFFFFFE0, s24;
	[tilespmem:v10+s17+$0x0] =	vst.idx.msk vm4, v6;
	v6 =	vor.u32 s29, v3  }
0xcf: {  	s31 =	sadd.s32 $0xFFFFFFF0, s24;
	[tilespmem:v8+s17+$0x0] =	vst.idx.msk vm5, v6;
	v6 =	vor.u32 s30, v3  }
0xd0: {  	[tilespmem:v7+s17+$0x0] =	vst.idx.msk vm3, v6;
	v6 =	vor.u32 s31, v3  }
0xd1: {  	[tilespmem:v5+s17+$0x0] =	vst.idx.msk vm7, v6;
	v5 =	vor.u32 s24, v3  }
0xd2: {  	[tilespmem:v4+s17+$0x0] =	vst.idx.msk vm0, v5  }
0xd3: {  	_ =	swait.ge [sflag:s19], $0x2000  }
0xd4: {  	[sflag:s19] =	ssyncset.done $0x0  }
0xd5: {  	[sflag:s19] =	ssyncadd.s32 $0xFFFFE000  }
0xd6: {  	_ =	swait.ge [sflag:s19], $0x140  }
0xd7: {  	[sflag:s19] =	ssyncset.done $0x0  }
0xd8: {  	[sflag:s19] =	ssyncadd.s32 $0xFFFFFEC0  }
0xd9: {  	v4 =	vld [tilespmem:$0x4000];
	_ =	sdelay $0x4  }
0xda: {  	vm0 =	vgt.s32 v4, $0xFFFFFFFF;
	vm1 =	vgt.s32 v4, $0x0  }
0xdb: {  	v4 =	vnsel vm1, $0x0, v4  }
0xdc: {  	v5 =	vld [tilespmem:$0x4010];
	_ =	sdelay $0x2  }
0xdd: {  	v6 =	vld [tilespmem:$0x4600]  }
0xde: {  	v4 =	vld.idx.msk [tilespmem:v4+s14+$0x0], vm0  }
0xdf: {  	vm2 =	vgt.s32 v5, $0x0;
	vm1 =	vgt.s32 v5, $0xFFFFFFFF  }
0xe0: {  	v5 =	vnsel vm2, $0x0, v5;
	_ =	sdelay $0x1  }
0xe1: {  	v7 =	vld [tilespmem:$0x4020]  }
0xe2: {  	v4 =	vsel vm0, v4, v6  }
0xe3: {  	[tilespmem:$0x4600] =	vst v4  }
0xe4: {  	v4 =	vld.idx.msk [tilespmem:v5+s14+$0x0], vm1  }
0xe5: {  	v5 =	vld [tilespmem:$0x4610]  }
0xe6: {  	vm2 =	vgt.s32 v7, $0x0;
	vm0 =	vgt.s32 v7, $0xFFFFFFFF  }
0xe7: {  	v6 =	vnsel vm2, $0x0, v7  }
0xe8: {  	v7 =	vld [tilespmem:$0x4030];
	_ =	sdelay $0x1  }
0xe9: {  	v4 =	vsel vm1, v4, v5  }
0xea: {  	v5 =	vld [tilespmem:$0x4620];
	[tilespmem:$0x4610] =	vst v4  }
0xeb: {  	v4 =	vld.idx.msk [tilespmem:v6+s14+$0x0], vm0  }
0xec: {  	vm2 =	vgt.s32 v7, $0x0;
	vm1 =	vgt.s32 v7, $0xFFFFFFFF  }
0xed: {  	v6 =	vnsel vm2, $0x0, v7  }
0xee: {  	v7 =	vld [tilespmem:$0x4040];
	_ =	sdelay $0x1  }
0xef: {  	v4 =	vsel vm0, v4, v5  }
0xf0: {  	v5 =	vld [tilespmem:$0x4630];
	[tilespmem:$0x4620] =	vst v4  }
0xf1: {  	v4 =	vld.idx.msk [tilespmem:v6+s14+$0x0], vm1  }
0xf2: {  	vm0 =	vgt.s32 v7, $0xFFFFFFFF;
	vm2 =	vgt.s32 v7, $0x0  }
0xf3: {  	v6 =	vnsel vm2, $0x0, v7  }
0xf4: {  	v7 =	vld [tilespmem:$0x4050];
	_ =	sdelay $0x1  }
0xf5: {  	v4 =	vsel vm1, v4, v5  }
0xf6: {  	v5 =	vld [tilespmem:$0x4640];
	[tilespmem:$0x4630] =	vst v4  }
0xf7: {  	v4 =	vld.idx.msk [tilespmem:v6+s14+$0x0], vm0  }
0xf8: {  	vm1 =	vgt.s32 v7, $0xFFFFFFFF;
	vm2 =	vgt.s32 v7, $0x0  }
0xf9: {  	v6 =	vnsel vm2, $0x0, v7  }
0xfa: {  	v7 =	vld [tilespmem:$0x4060];
	_ =	sdelay $0x1  }
0xfb: {  	v4 =	vsel vm0, v4, v5  }
0xfc: {  	v5 =	vld [tilespmem:$0x4650];
	[tilespmem:$0x4640] =	vst v4  }
0xfd: {  	v4 =	vld.idx.msk [tilespmem:v6+s14+$0x0], vm1  }
0xfe: {  	vm0 =	vgt.s32 v7, $0xFFFFFFFF;
	vm2 =	vgt.s32 v7, $0x0  }
0xff: {  	v6 =	vnsel vm2, $0x0, v7  }
0x100: {  	v7 =	vld [tilespmem:$0x4070];
	_ =	sdelay $0x1  }
0x101: {  	v4 =	vsel vm1, v4, v5  }
0x102: {  	v5 =	vld [tilespmem:$0x4660];
	[tilespmem:$0x4650] =	vst v4  }
0x103: {  	v4 =	vld.idx.msk [tilespmem:v6+s14+$0x0], vm0  }
0x104: {  	vm1 =	vgt.s32 v7, $0xFFFFFFFF;
	vm2 =	vgt.s32 v7, $0x0  }
0x105: {  	v6 =	vnsel vm2, $0x0, v7  }
0x106: {  	v7 =	vld [tilespmem:$0x4080];
	_ =	sdelay $0x1  }
0x107: {  	v4 =	vsel vm0, v4, v5  }
0x108: {  	v5 =	vld [tilespmem:$0x4670];
	[tilespmem:$0x4660] =	vst v4  }
0x109: {  	v4 =	vld.idx.msk [tilespmem:v6+s14+$0x0], vm1  }
0x10a: {  	vm0 =	vgt.s32 v7, $0xFFFFFFFF;
	vm2 =	vgt.s32 v7, $0x0  }
0x10b: {  	v6 =	vnsel vm2, $0x0, v7  }
0x10c: {  	v7 =	vld [tilespmem:$0x4090];
	_ =	sdelay $0x1  }
0x10d: {  	v4 =	vsel vm1, v4, v5  }
0x10e: {  	v5 =	vld [tilespmem:$0x4680];
	[tilespmem:$0x4670] =	vst v4  }
0x10f: {  	v4 =	vld.idx.msk [tilespmem:v6+s14+$0x0], vm0  }
0x110: {  	vm1 =	vgt.s32 v7, $0xFFFFFFFF;
	vm2 =	vgt.s32 v7, $0x0  }
0x111: {  	v6 =	vnsel vm2, $0x0, v7  }
0x112: {  	v7 =	vld [tilespmem:$0x40A0];
	_ =	sdelay $0x1  }
0x113: {  	v4 =	vsel vm0, v4, v5  }
0x114: {  	v5 =	vld [tilespmem:$0x4690];
	[tilespmem:$0x4680] =	vst v4  }
0x115: {  	v4 =	vld.idx.msk [tilespmem:v6+s14+$0x0], vm1  }
0x116: {  	vm0 =	vgt.s32 v7, $0xFFFFFFFF;
	vm2 =	vgt.s32 v7, $0x0  }
0x117: {  	v6 =	vnsel vm2, $0x0, v7  }
0x118: {  	v7 =	vld [tilespmem:$0x40B0];
	_ =	sdelay $0x1  }
0x119: {  	v4 =	vsel vm1, v4, v5  }
0x11a: {  	v5 =	vld [tilespmem:$0x46A0];
	[tilespmem:$0x4690] =	vst v4  }
0x11b: {  	v4 =	vld.idx.msk [tilespmem:v6+s14+$0x0], vm0  }
0x11c: {  	vm1 =	vgt.s32 v7, $0xFFFFFFFF;
	vm2 =	vgt.s32 v7, $0x0  }
0x11d: {  	v6 =	vnsel vm2, $0x0, v7  }
0x11e: {  	v7 =	vld [tilespmem:$0x40C0];
	_ =	sdelay $0x1  }
0x11f: {  	v4 =	vsel vm0, v4, v5  }
0x120: {  	v5 =	vld [tilespmem:$0x46B0];
	[tilespmem:$0x46A0] =	vst v4  }
0x121: {  	v4 =	vld.idx.msk [tilespmem:v6+s14+$0x0], vm1  }
0x122: {  	vm0 =	vgt.s32 v7, $0xFFFFFFFF;
	vm2 =	vgt.s32 v7, $0x0  }
0x123: {  	v6 =	vnsel vm2, $0x0, v7  }
0x124: {  	v7 =	vld [tilespmem:$0x40D0];
	_ =	sdelay $0x1  }
0x125: {  	v4 =	vsel vm1, v4, v5  }
0x126: {  	v5 =	vld [tilespmem:$0x46C0];
	[tilespmem:$0x46B0] =	vst v4  }
0x127: {  	v4 =	vld.idx.msk [tilespmem:v6+s14+$0x0], vm0  }
0x128: {  	vm1 =	vgt.s32 v7, $0xFFFFFFFF;
	vm2 =	vgt.s32 v7, $0x0  }
0x129: {  	v6 =	vnsel vm2, $0x0, v7  }
0x12a: {  	v7 =	vld [tilespmem:$0x40E0];
	_ =	sdelay $0x1  }
0x12b: {  	v4 =	vsel vm0, v4, v5  }
0x12c: {  	v5 =	vld [tilespmem:$0x46D0];
	[tilespmem:$0x46C0] =	vst v4  }
0x12d: {  	v4 =	vld.idx.msk [tilespmem:v6+s14+$0x0], vm1  }
0x12e: {  	vm0 =	vgt.s32 v7, $0xFFFFFFFF;
	vm2 =	vgt.s32 v7, $0x0  }
0x12f: {  	v6 =	vnsel vm2, $0x0, v7  }
0x130: {  	v7 =	vld [tilespmem:$0x40F0];
	_ =	sdelay $0x1  }
0x131: {  	v4 =	vsel vm1, v4, v5  }
0x132: {  	v5 =	vld [tilespmem:$0x46E0];
	[tilespmem:$0x46D0] =	vst v4  }
0x133: {  	v4 =	vld.idx.msk [tilespmem:v6+s14+$0x0], vm0  }
0x134: {  	vm1 =	vgt.s32 v7, $0xFFFFFFFF;
	vm2 =	vgt.s32 v7, $0x0  }
0x135: {  	v6 =	vnsel vm2, $0x0, v7  }
0x136: {  	v7 =	vld [tilespmem:$0x4100];
	_ =	sdelay $0x1  }
0x137: {  	v4 =	vsel vm0, v4, v5  }
0x138: {  	v5 =	vld [tilespmem:$0x46F0];
	[tilespmem:$0x46E0] =	vst v4  }
0x139: {  	v4 =	vld.idx.msk [tilespmem:v6+s14+$0x0], vm1  }
0x13a: {  	vm0 =	vgt.s32 v7, $0xFFFFFFFF;
	vm2 =	vgt.s32 v7, $0x0  }
0x13b: {  	v6 =	vnsel vm2, $0x0, v7  }
0x13c: {  	v7 =	vld [tilespmem:$0x4110];
	_ =	sdelay $0x1  }
0x13d: {  	v4 =	vsel vm1, v4, v5  }
0x13e: {  	v5 =	vld [tilespmem:$0x4700];
	[tilespmem:$0x46F0] =	vst v4  }
0x13f: {  	v4 =	vld.idx.msk [tilespmem:v6+s14+$0x0], vm0  }
0x140: {  	vm1 =	vgt.s32 v7, $0xFFFFFFFF;
	vm2 =	vgt.s32 v7, $0x0  }
0x141: {  	v6 =	vnsel vm2, $0x0, v7  }
0x142: {  	v7 =	vld [tilespmem:$0x4120];
	_ =	sdelay $0x1  }
0x143: {  	v4 =	vsel vm0, v4, v5  }
0x144: {  	v5 =	vld [tilespmem:$0x4710];
	[tilespmem:$0x4700] =	vst v4  }
0x145: {  	v4 =	vld.idx.msk [tilespmem:v6+s14+$0x0], vm1  }
0x146: {  	vm0 =	vgt.s32 v7, $0xFFFFFFFF;
	vm2 =	vgt.s32 v7, $0x0  }
0x147: {  	v6 =	vnsel vm2, $0x0, v7  }
0x148: {  	v7 =	vld [tilespmem:$0x4130];
	_ =	sdelay $0x1  }
0x149: {  	v4 =	vsel vm1, v4, v5  }
0x14a: {  	v5 =	vld [tilespmem:$0x4720];
	[tilespmem:$0x4710] =	vst v4  }
0x14b: {  	v4 =	vld.idx.msk [tilespmem:v6+s14+$0x0], vm0  }
0x14c: {  	vm1 =	vgt.s32 v7, $0xFFFFFFFF;
	vm2 =	vgt.s32 v7, $0x0  }
0x14d: {  	v6 =	vnsel vm2, $0x0, v7;
	_ =	sdelay $0x2  }
0x14e: {  	v4 =	vsel vm0, v4, v5  }
0x14f: {  	v5 =	vld [tilespmem:$0x4730];
	[tilespmem:$0x4720] =	vst v4  }
0x150: {  	v4 =	vld.idx.msk [tilespmem:v6+s14+$0x0], vm1;
	_ =	sdelay $0x4  }
0x151: {  	v4 =	vsel vm1, v4, v5  }
0x152: {  	s4 =	simm.s32 $0x0;
	s26 =	simm.s32 $0x0;
	[tilespmem:$0x4730] =	vst v4  }
0x153: {  	[hbm4b:s10+s4] =	stream.linear.scatter [tilespmem:s15], [sflag:$0x3], $0x140, $0x38;
	[tilespmem:$0x1A780] =	vst v63  }
0x154: {  	v4 =	vld [tilespmem:s26+$0x4000];
	_ =	sdelay $0x3  }
0x155: {  	v5 =	vmov s12  }
0x156: {  	vm2 =	vlt.u32 v5, $0x2710;
	vm0 =	vgt.s32 v4, $0xFFFFFFFF;
	vm1 =	vle.s32 v4, $0xFFFFFFFF  }
0x157: {  	vm1 =	vmand vm2, vm1;
	v5 =	vmpcnt.ones.xlane vm0  }
0x158: {  	v6 =	vmpcnt.ones.xlane vm1  }
0x159: {  	v5 =	vxor.u32 $0x80000000, v5  }
0x15a: {  	v6 =	vxor.u32 $0x80000000, v6;
	(xrf0) =	vmax.scan.msk.u32 $0xffff, v5  }
0x15b: {  	(xrf0) =	vmax.scan.msk.u32 $0xffff, v6;
	_ =	sdelay $0x4  }
0x15c: {  	v5, _, _ =	vpop (xrf0)  }
0x15d: {  	(v2sf) =	vpush v5, $0xF;
	v5, _, _ =	vpop (xrf0)  }
0x15e: {  	(v2sf) =	vpush v5, $0xF;
	v5 =	vor.u32 s12, v3  }
0x15f: {  	[tilespmem:s4+$0x4180] =	vst.msk vm0, v5  }
0x160: {  	[tilespmem:s4+$0x4300] =	vst.msk vm0, v4  }
0x161: {  	s29 =	simm.s32 $0x10;
	[tilespmem:s4+$0x4480] =	vst.msk vm1, v5  }
0x162: {  	v4 =	vld [tilespmem:s29+$0x4000];
	_ =	sdelay $0x2  }
0x163: {  	s30 =	sadd.s32 $0x10, s12  }
0x164: {  	v5 =	vmov s30  }
0x165: {  	vm2 =	vlt.u32 v5, $0x2710;
	vm0 =	vgt.s32 v4, $0xFFFFFFFF;
	vm1 =	vle.s32 v4, $0xFFFFFFFF  }
0x166: {  	vm1 =	vmand vm2, vm1;
	v5 =	vmpcnt.ones.xlane vm0  }
0x167: {  	v6 =	vmpcnt.ones.xlane vm1  }
0x168: {  	v5 =	vxor.u32 $0x80000000, v5  }
0x169: {  	v6 =	vxor.u32 $0x80000000, v6;
	(xrf0) =	vmax.scan.msk.u32 $0xffff, v5  }
0x16a: {  	(xrf0) =	vmax.scan.msk.u32 $0xffff, v6  }
0x16b: {  	s31 =	spop (v2sf)  }
0x16c: {  	s24 =	simm.s32 $0x80;
	s28 =	sadd.s32 $0x0, s31;
	s29 =	spop (v2sf)  }
0x16d: {  	s26 =	sadd.s32 $0x10, s30;
	v5 =	vor.u32 s30, v3;
	s25 =	sadd.s32 $0x80000000, s28;
	s28 =	sadd.s32 $0x0, s29  }
.LBB2_6:
0x16e: {  	p0 =	sne.s32 s24, $0x4C0  }
0x16f: {  	v6 =	vor.u32 s26, v3;
	v7, _, _ =	vpop (xrf0);
	s28 =	sadd.s32 $0x80000000, s28;
	s29 =	smov.u32 s24;
	s24 =	sadd.s32 $0x40, s24  }
0x170: {  	[tilespmem:s25+$0x4180] =	vst.msk vm0, v5;
	(v2sf) =	vpush v7, $0xF;
	v7, _, _ =	vpop (xrf0)  }
0x171: {  	[tilespmem:s25+$0x4300] =	vst.msk vm0, v4;
	(v2sf) =	vpush v7, $0xF  }
0x172: {  	s29 =	sshra.s32 s29, $0x2;
	[tilespmem:s28+$0x4480] =	vst.msk vm1, v5;
	v5 =	vmov v6  }
0x173: {  	v4 =	vld [tilespmem:s29+$0x4000];
	_ =	sdelay $0x3  }
0x174: {  	v6 =	vmov s26  }
0x175: {  	vm2 =	vlt.u32 v6, $0x2710;
	vm0 =	vgt.s32 v4, $0xFFFFFFFF;
	vm1 =	vle.s32 v4, $0xFFFFFFFF  }
0x176: {  	vm1 =	vmand vm2, vm1;
	v6 =	vmpcnt.ones.xlane vm0  }
0x177: {  	v7 =	vmpcnt.ones.xlane vm1  }
0x178: {  	v6 =	vxor.u32 $0x80000000, v6  }
0x179: {  	v7 =	vxor.u32 $0x80000000, v7;
	(xrf0) =	vmax.scan.msk.u32 $0xffff, v6  }
.Ltmp4:
0x17a: {  	(xrf0) =	vmax.scan.msk.u32 $0xffff, v7;
	(pc) =	sbr.rel @p0 .LBB2_6-.Ltmp4, $4  }
0x17b: {  	_ = 	snop  }
0x17c: {  	s29 =	spop (v2sf)  }
0x17d: {  	s25 =	sadd.s32 s29, s25;
	s29 =	spop (v2sf)  }
0x17e: {  	s26 =	sadd.s32 $0x10, s26;
	s25 =	sadd.s32 $0x80000000, s25;
	s28 =	sadd.s32 s29, s28  }
0x17f: {  	v6, _, _ =	vpop (xrf0)  }
0x180: {  	(v2sf) =	vpush v6, $0xF;
	_ =	sdelay $0xe  }
0x181: {  	s24 =	spop (v2sf)  }
0x182: {  	s24 =	sadd.s32 s24, s25  }
0x183: {  	s26 =	sadd.s32 $0x80000000, s24  }
0x184: {  	s24 =	sadd.s32 $0xF, s26  }
0x185: {  	v63, _, _ =	vpop (xrf0);
	s29 =	sand.u32 $0xF, s24  }
0x186: {  	(v2sf) =	vpush v63, $0xF;
	s30 =	sshra.s32 s24, $0x1F;
	p0 =	slt.s32 s24, $0x1;
	p1 =	sne.s32 s29, $0x0  }
0x187: {  	s4 =	sshrl.u32 s30, $0x1C;
	p0 =	por !p0, !p1  }
0x188: {  	s29 =	simm.s32 $0x1;
	s24 =	sadd.s32 s4, s24;
	p0 =	por !p0, !p0  }
0x189: {  	s24 =	sshra.s32 s24, $0x4;
	s29 =	simm.s32 @!p0 $0x0  }
0x18a: {  	[tilespmem:s25+$0x4180] =	vst.msk vm0, v5;
	s24 =	ssub.s32 s24, s29  }
0x18b: {  	s28 =	sadd.s32 $0x80000000, s28;
	[tilespmem:s25+$0x4300] =	vst.msk vm0, v4;
	p0 =	slt.s32 s24, $0x1  }
0x18c: {  	[tilespmem:s28+$0x4480] =	vst.msk vm1, v5;
	s29 =	sshll.u32 @!p0 s24, $0x4  }
0x18d: {  	v4 =	vld @!p0 [tilespmem:s29+$0x4170]  }
0x18e: {  	v5 =	vld @!p0 [tilespmem:s29+$0x42F0];
	_ =	sdelay $0x3  }
0x18f: {  	v6 =	vlaneseq.u32 @!p0;
	s25 =	sadd.s32 @!p0 $0xFFFFFFF0, s29;
	v7 =	vshll.u32 @!p0 v4, $0xD  }
0x190: {  	v6 =	vor.u32 @!p0 s25, v6;
	v7 =	vadd.s32 @!p0 v5, v7  }
0x191: {  	vm0 =	vlt.s32 @!p0 v6, s26;
	v6 =	vxor.u32 @!p0 $0x80000000, v7  }
0x192: {  	s30 =	spop (v2sf);
	v6 =	vnsel @!p0 vm0, $0x7FFFFFFF, v6  }
0x193: {  	s25 =	sadd.s32 s30, s28;
	(xrf0) =	vmax.scan.msk.u32 @!p0 $0xffff, v6  }
0x194: {  	s26 =	sadd.s32 $0x80000000, s25  }
0x195: {  	s25 =	sadd.s32 $0xF, s26  }
0x196: {  	s31 =	sand.u32 $0xF, s25  }
0x197: {  	s4 =	sshra.s32 s25, $0x1F;
	p6 =	slt.s32 s25, $0x1;
	p2 =	sne.s32 s31, $0x0  }
0x198: {  	s31 =	sshrl.u32 s4, $0x1C;
	p1 =	por !p6, !p2  }
0x199: {  	s28 =	simm.s32 $0x1;
	s25 =	sadd.s32 s31, s25;
	p1 =	por !p1, !p1;
	v6, _, _ =	vpop @!p0 (xrf0)  }
0x19a: {  	s25 =	sshra.s32 s25, $0x4;
	s28 =	simm.s32 @!p1 $0x0;
	v7 =	vand.u32 @!p0 $0x1FFF, v6;
	v6 =	vshrl.u32 @!p0 v6, $0xD  }
0x19b: {  	s25 =	ssub.s32 s25, s28;
	v5 =	vsel @!p0 vm0, v5, v7;
	v6 =	vxor.u32 @!p0 $0x40000, v6  }
0x19c: {  	p1 =	slt.s32 s25, $0x1;
	[tilespmem:s29+$0x42F0] =	vst @!p0 v5;
	v4 =	vsel @!p0 vm0, v4, v6  }
0x19d: {  	s28 =	sshll.u32 @!p1 s25, $0x4;
	[tilespmem:s29+$0x4170] =	vst @!p0 v4  }
0x19e: {  	v4 =	vld @!p1 [tilespmem:s28+$0x4470];
	_ =	sdelay $0x2  }
0x19f: {  	v5 =	vlaneseq.u32 @!p1;
	s29 =	sadd.s32 @!p1 $0xFFFFFFF0, s28  }
0x1a0: {  	v5 =	vor.u32 @!p1 s29, v5  }
0x1a1: {  	vm0 =	vlt.s32 @!p1 v5, s26;
	v5 =	vxor.u32 @!p1 $0x80000000, v4  }
0x1a2: {  	v5 =	vnsel @!p1 vm0, $0x7FFFFFFF, v5  }
0x1a3: {  	(xrf0) =	vmax.scan.msk.u32 @!p1 $0xffff, v5;
	_ =	sdelay $0x3  }
0x1a4: {  	p0 =	sgt.s32 s24, $0x0  }
.Ltmp5:
0x1a5: {  	_ = 	snop;
	(pc) =	sbr.rel @!p0 .LBB2_10-.Ltmp5, $4  }
0x1a6: {  	v5, _, _ =	vpop @!p1 (xrf0)  }
0x1a7: {  	v5 =	vxor.u32 @!p1 $0x80000000, v5  }
0x1a8: {  	v4 =	vsel @!p1 vm0, v4, v5  }
0x1a9: {  	[tilespmem:s28+$0x4470] =	vst @!p1 v4  }
0x1aa: {  	p3 =	seq.s32 s24, $0x1  }
.Ltmp6:
0x1ab: {  	_ = 	snop;
	(pc) =	sbr.rel @p3 .LBB2_9-.Ltmp6, $3  }
0x1ac: {  	_ =	sdelay $0x1  }
0x1ad: {  	s28 =	simm.s32 $0x4300  }
0x1ae: {  	s26 =	simm.s32 $0x4F80;
	p2 =	por $0x0, $0x0;
	v7 =	vld [tilespmem:s28+$0x0];
	s28 =	sadd.s32 $0xFFFFFFFF, s24  }
0x1af: {  	_ =	sdelay $0x3  }
0x1b0: {  	v4 =	vshll.u32 v7, $0x1  }
0x1b1: {  	v5 =	vand.u32 $0x7, v7;
	v4 =	vand.u32 $0xFFFFFFF0, v4  }
0x1b2: {  	v7 =	vor.u32 v5, v4;
	v4 =	vand.u32 $0x7, v3;
	v5 =	vshrl.u32 v3, $0x3  }
0x1b3: {  	v8 =	vperm.xlane v7, v4;
	v5 =	vmul.u32 $0x8, v5  }
0x1b4: {  	v6 =	vor.u32 $0x8, v3  }
0x1b5: {  	v7 =	vperm.xlane v7, v6;
	v8 =	vadd.s32 v5, v8;
	_ =	sdelay $0x1  }
0x1b6: {  	v7 =	vadd.s32 v5, v7  }
0x1b7: {  	p3 =	seq.s32 s28, $0x1  }
.Ltmp7:
0x1b8: {  	s29 =	simm.s32 $0x4780;
	vm0 =	vmmov $0xffff;
	(pc) =	sbr.rel @p3 .LBB2_14-.Ltmp7, $4  }
0x1b9: {  	[tilespmem:s29], [sflag:$0x4] =	stream.indirect_vreg.gather [hbm4b:s2+s7], $0x80, v8, vm0, $0xb8;
	[tilespmem:$0x1A780] =	vst v63  }
0x1ba: {  	s29 =	simm.s32 $0x4310  }
0x1bb: {  	[tilespmem:s26], [sflag:$0x4] =	stream.indirect_vreg.gather [hbm4b:s2+s7], $0x80, v7, vm0, $0xb8;
	[tilespmem:$0x1A780] =	vst v63  }
0x1bc: {  	s30 =	sadd.s32 $0xFFFFFFFF, s28;
	p2 =	por $0x1, $0x1;
	s28 =	simm.s32 $0x4F80;
	v7 =	vld [tilespmem:s29+$0x0]  }
.LBB2_15:
0x1bd: {  	p3 =	seq.s32 s30, $0x1;
	_ =	sdelay $0x3  }
0x1be: {  	v8 =	vshll.u32 v7, $0x1  }
0x1bf: {  	v7 =	vand.u32 $0x7, v7;
	v8 =	vand.u32 $0xFFFFFFF0, v8  }
0x1c0: {  	v7 =	vor.u32 v7, v8  }
0x1c1: {  	v8 =	vperm.xlane v7, v4;
	v7 =	vperm.xlane v7, v6;
	_ =	sdelay $0x1  }
0x1c2: {  	v8 =	vadd.s32 v5, v8;
	_ =	sdelay $0x1  }
0x1c3: {  	v7 =	vadd.s32 v5, v7  }
0x1c4: {  	s28 =	sadd.s32 $0x1000, s28  }
.Ltmp8:
0x1c5: {  	s31 =	sadd.s32 $0xFFFFF800, s28;
	(pc) =	sbr.rel @!p3 .LBB2_15-.Ltmp8, $4  }
0x1c6: {  	[tilespmem:s31], [sflag:$0x4] =	stream.indirect_vreg.gather [hbm4b:s2+s7], $0x80, v8, vm0, $0xb8;
	[tilespmem:$0x1A780] =	vst v63  }
0x1c7: {  	s29 =	sadd.s32 $0x10, s29  }
0x1c8: {  	[tilespmem:s28], [sflag:$0x4] =	stream.indirect_vreg.gather [hbm4b:s2+s7], $0x80, v7, vm0, $0xb8;
	[tilespmem:$0x1A780] =	vst v63  }
0x1c9: {  	s30 =	sadd.s32 $0xFFFFFFFF, s30;
	v7 =	vld [tilespmem:s29+$0x0]  }
.LBB2_16:
0x1ca: {  	_ =	sdelay $0x3  }
0x1cb: {  	v4 =	vshll.u32 v7, $0x1  }
0x1cc: {  	v5 =	vand.u32 $0x7, v7;
	v4 =	vand.u32 $0xFFFFFFF0, v4  }
0x1cd: {  	v6 =	vshrl.u32 v3, $0x3;
	v4 =	vor.u32 v5, v4;
	v5 =	vand.u32 $0x7, v3  }
0x1ce: {  	v6 =	vmul.u32 $0x8, v6;
	v5 =	vperm.xlane v4, v5  }
0x1cf: {  	v63 =	vor.u32 $0x8, v3  }
0x1d0: {  	v4 =	vperm.xlane v4, v63;
	v5 =	vadd.s32 v6, v5;
	_ =	sdelay $0x1  }
0x1d1: {  	s28 =	sadd.s32 @p2 $0x1000, s28;
	v4 =	vadd.s32 v6, v4  }
0x1d2: {  	s26 =	smov.u32 @p2 s28  }
0x1d3: {  	vm0 =	vmmov $0xffff;
	s28 =	sadd.s32 $0xFFFFF800, s26  }
0x1d4: {  	[tilespmem:s28], [sflag:$0x4] =	stream.indirect_vreg.gather [hbm4b:s2+s7], $0x80, v5, vm0, $0xb8;
	[tilespmem:$0x1A780] =	vst v63  }
0x1d5: {  	_ = 	snop  }
0x1d6: {  	[tilespmem:s26], [sflag:$0x4] =	stream.indirect_vreg.gather [hbm4b:s2+s7], $0x80, v4, vm0, $0xb8;
	[tilespmem:$0x1A780] =	vst v63  }
.LBB2_10:
.Ltmp9:
0x1d7: {  	(pc) =	sbr.rel @p1 .LBB2_21-.Ltmp9, $3  }
0x1d8: {  	_ =	sdelay $0x1  }
0x1d9: {  	s26 =	sshll.u32 s24, $0xE  }
0x1da: {  	s26 =	sshra.s32 s26, $0x2  }
0x1db: {  	p2 =	seq.s32 s25, $0x1  }
.Ltmp10:
0x1dc: {  	_ = 	snop;
	(pc) =	sbr.rel @p2 .LBB2_12-.Ltmp10, $3  }
0x1dd: {  	_ =	sdelay $0x1  }
0x1de: {  	s29 =	simm.s32 $0x4480  }
0x1df: {  	s28 =	sadd.s32 $0x4F80, s26;
	p1 =	por $0x0, $0x0;
	v7 =	vld [tilespmem:s29+$0x0];
	s29 =	sadd.s32 $0xFFFFFFFF, s25  }
0x1e0: {  	_ =	sdelay $0x3  }
0x1e1: {  	v4 =	vshll.u32 v7, $0x1  }
0x1e2: {  	v5 =	vand.u32 $0x7, v7;
	v4 =	vand.u32 $0xFFFFFFF0, v4  }
0x1e3: {  	v7 =	vor.u32 v5, v4;
	v4 =	vand.u32 $0x7, v3;
	v5 =	vshrl.u32 v3, $0x3  }
0x1e4: {  	v8 =	vperm.xlane v7, v4;
	v5 =	vmul.u32 $0x8, v5  }
0x1e5: {  	v6 =	vor.u32 $0x8, v3  }
0x1e6: {  	v7 =	vperm.xlane v7, v6;
	v8 =	vadd.s32 v5, v8;
	_ =	sdelay $0x1  }
0x1e7: {  	v7 =	vadd.s32 v5, v7  }
0x1e8: {  	p2 =	seq.s32 s29, $0x1  }
.Ltmp11:
0x1e9: {  	s30 =	sadd.s32 $0xFFFFF800, s28;
	vm0 =	vmmov $0xffff;
	(pc) =	sbr.rel @p2 .LBB2_18-.Ltmp11, $4  }
0x1ea: {  	[tilespmem:s30], [sflag:$0x5] =	stream.indirect_vreg.gather [hbm4b:s0+s7], $0x80, v8, vm0, $0xb8;
	[tilespmem:$0x1A780] =	vst v63  }
0x1eb: {  	s30 =	simm.s32 $0x4490  }
0x1ec: {  	[tilespmem:s28], [sflag:$0x5] =	stream.indirect_vreg.gather [hbm4b:s0+s7], $0x80, v7, vm0, $0xb8;
	[tilespmem:$0x1A780] =	vst v63  }
0x1ed: {  	s31 =	sadd.s32 $0xFFFFFFFF, s29;
	p1 =	por $0x1, $0x1;
	s29 =	smov.u32 s28;
	v7 =	vld [tilespmem:s30+$0x0]  }
.LBB2_19:
0x1ee: {  	p2 =	seq.s32 s31, $0x1;
	_ =	sdelay $0x3  }
0x1ef: {  	v8 =	vshll.u32 v7, $0x1  }
0x1f0: {  	v7 =	vand.u32 $0x7, v7;
	v8 =	vand.u32 $0xFFFFFFF0, v8  }
0x1f1: {  	v7 =	vor.u32 v7, v8  }
0x1f2: {  	v8 =	vperm.xlane v7, v4;
	v7 =	vperm.xlane v7, v6;
	_ =	sdelay $0x1  }
0x1f3: {  	v8 =	vadd.s32 v5, v8;
	_ =	sdelay $0x1  }
0x1f4: {  	v7 =	vadd.s32 v5, v7  }
0x1f5: {  	s29 =	sadd.s32 $0x1000, s29  }
.Ltmp12:
0x1f6: {  	s4 =	sadd.s32 $0xFFFFF800, s29;
	(pc) =	sbr.rel @!p2 .LBB2_19-.Ltmp12, $4  }
0x1f7: {  	[tilespmem:s4], [sflag:$0x5] =	stream.indirect_vreg.gather [hbm4b:s0+s7], $0x80, v8, vm0, $0xb8;
	[tilespmem:$0x1A780] =	vst v63  }
0x1f8: {  	s30 =	sadd.s32 $0x10, s30  }
0x1f9: {  	[tilespmem:s29], [sflag:$0x5] =	stream.indirect_vreg.gather [hbm4b:s0+s7], $0x80, v7, vm0, $0xb8;
	[tilespmem:$0x1A780] =	vst v63  }
0x1fa: {  	s31 =	sadd.s32 $0xFFFFFFFF, s31;
	v7 =	vld [tilespmem:s30+$0x0]  }
.LBB2_20:
0x1fb: {  	_ =	sdelay $0x3  }
0x1fc: {  	v4 =	vshll.u32 v7, $0x1  }
0x1fd: {  	v5 =	vand.u32 $0x7, v7;
	v4 =	vand.u32 $0xFFFFFFF0, v4  }
0x1fe: {  	v6 =	vshrl.u32 v3, $0x3;
	v4 =	vor.u32 v5, v4;
	v5 =	vand.u32 $0x7, v3  }
0x1ff: {  	v6 =	vmul.u32 $0x8, v6;
	v5 =	vperm.xlane v4, v5  }
0x200: {  	v63 =	vor.u32 $0x8, v3  }
0x201: {  	v4 =	vperm.xlane v4, v63;
	v5 =	vadd.s32 v6, v5;
	_ =	sdelay $0x1  }
0x202: {  	s4 =	sadd.s32 @p1 $0x1000, s29;
	v4 =	vadd.s32 v6, v4  }
0x203: {  	s28 =	smov.u32 @p1 s4  }
0x204: {  	vm0 =	vmmov $0xffff;
	s4 =	sadd.s32 $0xFFFFF800, s28  }
0x205: {  	[tilespmem:s4], [sflag:$0x5] =	stream.indirect_vreg.gather [hbm4b:s0+s7], $0x80, v5, vm0, $0xb8;
	[tilespmem:$0x1A780] =	vst v63  }
0x206: {  	_ = 	snop  }
0x207: {  	[tilespmem:s28], [sflag:$0x5] =	stream.indirect_vreg.gather [hbm4b:s0+s7], $0x80, v4, vm0, $0xb8;
	[tilespmem:$0x1A780] =	vst v63  }
.LBB2_21:
.Ltmp13:
0x208: {  	(pc) =	sbr.rel @!p0 .LBB2_29-.Ltmp13, $2  }
0x209: {  	_ =	sdelay $0x2  }
0x20a: {  	s28 =	smov.u32 s24  }
.LBB2_22:
0x20b: {  	p1 =	seq.s32 s28, $0x1  }
.Ltmp14:
0x20c: {  	_ = 	snop;
	(pc) =	sbr.rel @!p1 .LBB2_22-.Ltmp14, $4  }
0x20d: {  	_ = 	snop  }
0x20e: {  	_ =	swait.ge [sflag:s20], $0x1000  }
0x20f: {  	[sflag:s20] =	ssyncset.done $0x0  }
0x210: {  	s28 =	sadd.s32 $0xFFFFFFFF, s28;
	[sflag:s20] =	ssyncadd.s32 $0xFFFFF000  }
0x211: {  	p2 =	seq.s32 s24, $0x1  }
.Ltmp15:
0x212: {  	_ = 	snop;
	(pc) =	sbr.rel @p2 .LBB2_24-.Ltmp15, $3  }
0x213: {  	_ =	sdelay $0x1  }
0x214: {  	s29 =	simm.s32 $0x4180  }
0x215: {  	s28 =	simm.s32 $0x4F80;
	p1 =	por $0x0, $0x0;
	v7 =	vld [tilespmem:s29+$0x0];
	s29 =	sadd.s32 $0xFFFFFFFF, s24  }
0x216: {  	_ =	sdelay $0x3  }
0x217: {  	v4 =	vshll.u32 v7, $0x1  }
0x218: {  	v5 =	vand.u32 $0x7, v7;
	v4 =	vand.u32 $0xFFFFFFF0, v4  }
0x219: {  	v7 =	vor.u32 v5, v4;
	v4 =	vand.u32 $0x7, v3;
	v5 =	vshrl.u32 v3, $0x3  }
0x21a: {  	v8 =	vperm.xlane v7, v4;
	v5 =	vmul.u32 $0x8, v5  }
0x21b: {  	v6 =	vor.u32 $0x8, v3  }
0x21c: {  	v7 =	vperm.xlane v7, v6;
	v8 =	vadd.s32 v5, v8;
	_ =	sdelay $0x1  }
0x21d: {  	v7 =	vadd.s32 v5, v7  }
0x21e: {  	p2 =	seq.s32 s29, $0x1  }
.Ltmp16:
0x21f: {  	s4 =	simm.s32 $0x4780;
	vm0 =	vmmov $0xffff;
	(pc) =	sbr.rel @p2 .LBB2_26-.Ltmp16, $4  }
0x220: {  	[hbm4b:s6+s7] =	stream.indirect_vreg.scatter [tilespmem:s4], [sflag:$0x6], $0x80, v8, vm0, $0xb8;
	[tilespmem:$0x1A780] =	vst v63  }
0x221: {  	s30 =	simm.s32 $0x4190  }
0x222: {  	[hbm4b:s6+s7] =	stream.indirect_vreg.scatter [tilespmem:s28], [sflag:$0x6], $0x80, v7, vm0, $0xb8;
	[tilespmem:$0x1A780] =	vst v63  }
0x223: {  	s31 =	sadd.s32 $0xFFFFFFFF, s29;
	p1 =	por $0x1, $0x1;
	s29 =	simm.s32 $0x4F80;
	v7 =	vld [tilespmem:s30+$0x0]  }
.LBB2_27:
0x224: {  	p2 =	seq.s32 s31, $0x1;
	_ =	sdelay $0x3  }
0x225: {  	v8 =	vshll.u32 v7, $0x1  }
0x226: {  	v7 =	vand.u32 $0x7, v7;
	v8 =	vand.u32 $0xFFFFFFF0, v8  }
0x227: {  	v7 =	vor.u32 v7, v8  }
0x228: {  	v8 =	vperm.xlane v7, v4;
	v7 =	vperm.xlane v7, v6;
	_ =	sdelay $0x1  }
0x229: {  	v8 =	vadd.s32 v5, v8;
	_ =	sdelay $0x1  }
0x22a: {  	v7 =	vadd.s32 v5, v7  }
0x22b: {  	s29 =	sadd.s32 $0x1000, s29  }
.Ltmp17:
0x22c: {  	s4 =	sadd.s32 $0xFFFFF800, s29;
	(pc) =	sbr.rel @!p2 .LBB2_27-.Ltmp17, $4  }
0x22d: {  	[hbm4b:s6+s7] =	stream.indirect_vreg.scatter [tilespmem:s4], [sflag:$0x6], $0x80, v8, vm0, $0xb8;
	[tilespmem:$0x1A780] =	vst v63  }
0x22e: {  	s30 =	sadd.s32 $0x10, s30  }
0x22f: {  	[hbm4b:s6+s7] =	stream.indirect_vreg.scatter [tilespmem:s29], [sflag:$0x6], $0x80, v7, vm0, $0xb8;
	[tilespmem:$0x1A780] =	vst v63  }
0x230: {  	s31 =	sadd.s32 $0xFFFFFFFF, s31;
	v7 =	vld [tilespmem:s30+$0x0]  }
.LBB2_28:
0x231: {  	_ =	sdelay $0x3  }
0x232: {  	v4 =	vshll.u32 v7, $0x1  }
0x233: {  	v5 =	vand.u32 $0x7, v7;
	v4 =	vand.u32 $0xFFFFFFF0, v4  }
0x234: {  	v6 =	vshrl.u32 v3, $0x3;
	v4 =	vor.u32 v5, v4;
	v5 =	vand.u32 $0x7, v3  }
0x235: {  	v6 =	vmul.u32 $0x8, v6;
	v5 =	vperm.xlane v4, v5  }
0x236: {  	v63 =	vor.u32 $0x8, v3  }
0x237: {  	v4 =	vperm.xlane v4, v63;
	v5 =	vadd.s32 v6, v5;
	_ =	sdelay $0x1  }
0x238: {  	s4 =	sadd.s32 @p1 $0x1000, s29;
	v4 =	vadd.s32 v6, v4  }
0x239: {  	s28 =	smov.u32 @p1 s4  }
0x23a: {  	vm0 =	vmmov $0xffff;
	s4 =	sadd.s32 $0xFFFFF800, s28  }
0x23b: {  	[hbm4b:s6+s7] =	stream.indirect_vreg.scatter [tilespmem:s4], [sflag:$0x6], $0x80, v5, vm0, $0xb8;
	[tilespmem:$0x1A780] =	vst v63  }
0x23c: {  	_ = 	snop  }
0x23d: {  	[hbm4b:s6+s7] =	stream.indirect_vreg.scatter [tilespmem:s28], [sflag:$0x6], $0x80, v4, vm0, $0xb8;
	[tilespmem:$0x1A780] =	vst v63  }
.LBB2_29:
0x23e: {  	p1 =	sgt.s32 s25, $0x0  }
.Ltmp18:
0x23f: {  	_ = 	snop;
	(pc) =	sbr.rel @!p1 .LBB2_38-.Ltmp18, $1  }
0x240: {  	_ =	sdelay $0x3  }
0x241: {  	p2 =	sne.s32 s25, $0x1  }
.Ltmp19:
0x242: {  	_ = 	snop;
	(pc) =	sbr.rel @!p2 .LBB2_32-.Ltmp19, $3  }
0x243: {  	_ =	sdelay $0x1  }
0x244: {  	_ =	swait.ge [sflag:s21], $0x1000  }
0x245: {  	s28 =	sadd.s32 $0xFFFFFFFF, s25;
	[sflag:s21] =	ssyncset.done $0x0  }
.LBB2_31:
0x246: {  	p2 =	sne.s32 s28, $0x1;
	s28 =	sadd.s32 $0xFFFFFFFF, s28;
	[sflag:s21] =	ssyncadd.s32 $0xFFFFF000  }
.Ltmp20:
0x247: {  	(pc) =	sbr.rel @p2 .LBB2_31-.Ltmp20, $3  }
0x248: {  	_ =	sdelay $0x1  }
0x249: {  	_ =	swait.ge [sflag:s21], $0x1000  }
0x24a: {  	[sflag:s21] =	ssyncset.done $0x0  }
.LBB2_32:
0x24b: {  	p3 =	seq.s32 s25, $0x1  }
.Ltmp21:
0x24c: {  	_ = 	snop;
	(pc) =	sbr.rel @p3 .LBB2_33-.Ltmp21, $3  }
0x24d: {  	_ =	sdelay $0x1  }
0x24e: {  	[sflag:s21] =	ssyncadd.s32 $0xFFFFF000;
	s28 =	simm.s32 $0x4480  }
0x24f: {  	s26 =	sadd.s32 $0x4F80, s26;
	p2 =	por $0x0, $0x0;
	v7 =	vld [tilespmem:s28+$0x0];
	s28 =	sadd.s32 $0xFFFFFFFF, s25  }
0x250: {  	_ =	sdelay $0x3  }
0x251: {  	v4 =	vshll.u32 v7, $0x1  }
0x252: {  	v5 =	vand.u32 $0x7, v7;
	v4 =	vand.u32 $0xFFFFFFF0, v4  }
0x253: {  	v7 =	vor.u32 v5, v4;
	v4 =	vand.u32 $0x7, v3;
	v5 =	vshrl.u32 v3, $0x3  }
0x254: {  	v8 =	vperm.xlane v7, v4;
	v5 =	vmul.u32 $0x8, v5  }
0x255: {  	v6 =	vor.u32 $0x8, v3  }
0x256: {  	v7 =	vperm.xlane v7, v6;
	v8 =	vadd.s32 v5, v8;
	_ =	sdelay $0x1  }
0x257: {  	v7 =	vadd.s32 v5, v7  }
0x258: {  	p3 =	seq.s32 s28, $0x1  }
.Ltmp22:
0x259: {  	s4 =	sadd.s32 $0xFFFFF800, s26;
	vm0 =	vmmov $0xffff;
	(pc) =	sbr.rel @p3 .LBB2_35-.Ltmp22, $4  }
0x25a: {  	[hbm4b:s6+s7] =	stream.indirect_vreg.scatter [tilespmem:s4], [sflag:$0x6], $0x80, v8, vm0, $0xb8;
	[tilespmem:$0x1A780] =	vst v63  }
0x25b: {  	s29 =	simm.s32 $0x4490  }
0x25c: {  	[hbm4b:s6+s7] =	stream.indirect_vreg.scatter [tilespmem:s26], [sflag:$0x6], $0x80, v7, vm0, $0xb8;
	[tilespmem:$0x1A780] =	vst v63  }
0x25d: {  	s30 =	sadd.s32 $0xFFFFFFFF, s28;
	p2 =	por $0x1, $0x1;
	s28 =	smov.u32 s26;
	v7 =	vld [tilespmem:s29+$0x0]  }
.LBB2_36:
0x25e: {  	p3 =	seq.s32 s30, $0x1;
	_ =	sdelay $0x3  }
0x25f: {  	v8 =	vshll.u32 v7, $0x1  }
0x260: {  	v7 =	vand.u32 $0x7, v7;
	v8 =	vand.u32 $0xFFFFFFF0, v8  }
0x261: {  	v7 =	vor.u32 v7, v8  }
0x262: {  	v8 =	vperm.xlane v7, v4;
	v7 =	vperm.xlane v7, v6;
	_ =	sdelay $0x1  }
0x263: {  	v8 =	vadd.s32 v5, v8;
	_ =	sdelay $0x1  }
0x264: {  	v7 =	vadd.s32 v5, v7  }
0x265: {  	s28 =	sadd.s32 $0x1000, s28  }
.Ltmp23:
0x266: {  	s4 =	sadd.s32 $0xFFFFF800, s28;
	(pc) =	sbr.rel @!p3 .LBB2_36-.Ltmp23, $4  }
0x267: {  	[hbm4b:s6+s7] =	stream.indirect_vreg.scatter [tilespmem:s4], [sflag:$0x6], $0x80, v8, vm0, $0xb8;
	[tilespmem:$0x1A780] =	vst v63  }
0x268: {  	s29 =	sadd.s32 $0x10, s29  }
0x269: {  	[hbm4b:s6+s7] =	stream.indirect_vreg.scatter [tilespmem:s28], [sflag:$0x6], $0x80, v7, vm0, $0xb8;
	[tilespmem:$0x1A780] =	vst v63  }
0x26a: {  	s30 =	sadd.s32 $0xFFFFFFFF, s30;
	v7 =	vld [tilespmem:s29+$0x0]  }
.LBB2_37:
0x26b: {  	_ =	sdelay $0x3  }
0x26c: {  	v4 =	vshll.u32 v7, $0x1  }
0x26d: {  	v5 =	vand.u32 $0x7, v7;
	v4 =	vand.u32 $0xFFFFFFF0, v4  }
0x26e: {  	v6 =	vshrl.u32 v3, $0x3;
	v4 =	vor.u32 v5, v4;
	v5 =	vand.u32 $0x7, v3  }
0x26f: {  	v6 =	vmul.u32 $0x8, v6;
	v5 =	vperm.xlane v4, v5  }
0x270: {  	v63 =	vor.u32 $0x8, v3  }
0x271: {  	v4 =	vperm.xlane v4, v63;
	v5 =	vadd.s32 v6, v5;
	_ =	sdelay $0x1  }
0x272: {  	s4 =	sadd.s32 @p2 $0x1000, s28;
	v4 =	vadd.s32 v6, v4  }
0x273: {  	s26 =	smov.u32 @p2 s4  }
0x274: {  	vm0 =	vmmov $0xffff;
	s4 =	sadd.s32 $0xFFFFF800, s26  }
0x275: {  	[hbm4b:s6+s7] =	stream.indirect_vreg.scatter [tilespmem:s4], [sflag:$0x6], $0x80, v5, vm0, $0xb8;
	[tilespmem:$0x1A780] =	vst v63  }
0x276: {  	_ = 	snop  }
0x277: {  	[hbm4b:s6+s7] =	stream.indirect_vreg.scatter [tilespmem:s26], [sflag:$0x6], $0x80, v4, vm0, $0xb8;
	[tilespmem:$0x1A780] =	vst v63  }
.LBB2_38:
.Ltmp24:
0x278: {  	(pc) =	sbr.rel @!p0 .LBB2_39-.Ltmp24, $1  }
0x279: {  	_ =	sdelay $0x3  }
0x27a: {  	p0 =	seq.s32 s24, $0x1  }
.Ltmp25:
0x27b: {  	_ = 	snop;
	(pc) =	sbr.rel @p0 .LBB2_47-.Ltmp25, $3  }
0x27c: {  	_ =	sdelay $0x1  }
0x27d: {  	_ =	swait.ge [sflag:s22], $0x1000  }
0x27e: {  	s24 =	sadd.s32 $0xFFFFFFFF, s24;
	[sflag:s22] =	ssyncset.done $0x0  }
.LBB2_46:
0x27f: {  	p0 =	seq.s32 s24, $0x1;
	s24 =	sadd.s32 $0xFFFFFFFF, s24;
	[sflag:s22] =	ssyncadd.s32 $0xFFFFF000  }
.Ltmp26:
0x280: {  	(pc) =	sbr.rel @!p0 .LBB2_46-.Ltmp26, $3  }
0x281: {  	_ =	sdelay $0x1  }
0x282: {  	_ =	swait.ge [sflag:s22], $0x1000  }
0x283: {  	[sflag:s22] =	ssyncset.done $0x0  }
.LBB2_47:
0x284: {  	[sflag:s22] =	ssyncadd.s32 $0xFFFFF000  }
.LBB2_39:
.Ltmp27:
0x285: {  	(pc) =	sbr.rel @!p1 .LBB2_43-.Ltmp27, $1  }
0x286: {  	_ =	sdelay $0x3  }
0x287: {  	p0 =	sne.s32 s25, $0x1  }
.Ltmp28:
0x288: {  	_ = 	snop;
	(pc) =	sbr.rel @!p0 .LBB2_42-.Ltmp28, $3  }
0x289: {  	_ =	sdelay $0x1  }
0x28a: {  	_ =	swait.ge [sflag:s22], $0x1000  }
0x28b: {  	s24 =	sadd.s32 $0xFFFFFFFF, s25;
	[sflag:s22] =	ssyncset.done $0x0  }
.LBB2_41:
0x28c: {  	p0 =	sne.s32 s24, $0x1;
	s24 =	sadd.s32 $0xFFFFFFFF, s24;
	[sflag:s22] =	ssyncadd.s32 $0xFFFFF000  }
.Ltmp29:
0x28d: {  	(pc) =	sbr.rel @p0 .LBB2_41-.Ltmp29, $3  }
0x28e: {  	_ =	sdelay $0x1  }
0x28f: {  	_ =	swait.ge [sflag:s22], $0x1000  }
0x290: {  	[sflag:s22] =	ssyncset.done $0x0  }
.Ltmp30:
0x291: {  	_ = 	snop;
	(pc) =	sbr.rel .LBB2_42-.Ltmp30, $1  }
0x292: {  	_ =	sdelay $0x3  }
.LBB2_9:
.Ltmp31:
0x293: {  	(pc) =	sbr.rel .LBB2_16-.Ltmp31, $2  }
0x294: {  	_ =	sdelay $0x2  }
0x295: {  	s28 =	simm.s32 $0x4F80  }
.LBB2_12:
.Ltmp32:
0x296: {  	(pc) =	sbr.rel .LBB2_20-.Ltmp32, $2  }
0x297: {  	_ =	sdelay $0x2  }
0x298: {  	s29 =	smov.u32 s28  }
.LBB2_24:
.Ltmp33:
0x299: {  	(pc) =	sbr.rel .LBB2_28-.Ltmp33, $2  }
0x29a: {  	_ =	sdelay $0x2  }
0x29b: {  	s29 =	simm.s32 $0x4F80  }
.LBB2_33:
.Ltmp34:
0x29c: {  	(pc) =	sbr.rel .LBB2_37-.Ltmp34, $2  }
0x29d: {  	_ =	sdelay $0x2  }
0x29e: {  	s28 =	smov.u32 s26  }
.LBB2_14:
.Ltmp35:
0x29f: {  	(pc) =	sbr.rel .LBB2_16-.Ltmp35, $2  }
0x2a0: {  	_ =	sdelay $0x2  }
0x2a1: {  	s28 =	simm.s32 $0x4F80  }
.LBB2_18:
.Ltmp36:
0x2a2: {  	(pc) =	sbr.rel .LBB2_20-.Ltmp36, $2  }
0x2a3: {  	_ =	sdelay $0x2  }
0x2a4: {  	s29 =	smov.u32 s28  }
.LBB2_26:
.Ltmp37:
0x2a5: {  	(pc) =	sbr.rel .LBB2_28-.Ltmp37, $2  }
0x2a6: {  	_ =	sdelay $0x2  }
0x2a7: {  	s29 =	simm.s32 $0x4F80  }
.LBB2_35:
.Ltmp38:
0x2a8: {  	(pc) =	sbr.rel .LBB2_37-.Ltmp38, $2  }
0x2a9: {  	_ =	sdelay $0x2  }
0x2aa: {  	s28 =	smov.u32 s26  }
.LBB2_44:
0x2ab: {  	_ =	sfence.sel $0x180000  }
0x2ac: {  	[bflag:$0x0] =	sbarrier.arrive $0xFFFF  }
0x2ad: {  	_ =	strace $0x90000047  }
0x2ae: {  	[bflag:$0x2] =	sbarrier.arrive $0xFFFF  }
0x2af: {  	p0 =	sne.s32 s5, $0x0;
	s0 =	rddreg [dreg:$0x7]  }
0x2b0: {  	s0 =	sadd.s32 @!p0 $0x100000, s0  }
0x2b1: {  	[sflag:s0] =	ssyncadd.tile.s32 @!p0 $0x1;
	_ =	shalt  }
.Lfunc_end2:
_tile_overlayer_lowered:
.L_overlay_start_2:
0x2b2: {  	(tag) =	ssettag $0x2  }
0x2b3: {  	s0 =	rddreg [dreg:$0x0];
	s2 =	stileid.u32  }
0x2b4: {  	s1 =	rddreg [dreg:$0x1];
	p0 =	sne.s32 s2, $0x0  }
0x2b5: {  	s3 =	rddreg [dreg:$0x2];
	[bflag:$0x3] =	sbarrier.arrive $0xFFFF;
	s2 =	simm.s32 @!p0 $0x1C07  }
0x2b6: {  	[timem:s3], [sflag:s2] =	dma.local @!p0 [hbm:s0], s1  }
0x2b7: {  	s0 =	simm.s32 @!p0 $0x7  }
0x2b8: {  	_ =	swait.ge @!p0 [sflag:s0], s1  }
0x2b9: {  	s1 =	ssub.s32 @!p0 $0x0, s1;
	[sflag:s0] =	ssyncset.done @!p0 $0x0  }
0x2ba: {  	[sflag:s0] =	ssyncadd.s32 @!p0 s1  }
0x2bb: {  	[bflag:$0x3] =	sbarrier.arrive $0xFFFF  }
0x2bc: {  	_ =	shalt  }

</sc_bundles>
